<compile_context>
chip_gen: v7x
topology: tpu7x:2x2x1
jax: 0.10.2.dev20260603
libtpu: 0.0.44.dev20260713+nightly
codegen_flags: <defaults>
</compile_context>

<pallas_src>
import functools

import jax
import jax.numpy as jnp
from jax import lax
from jax.experimental import pallas as pl
from jax.experimental.pallas import tpu as pltpu
from jax.experimental.pallas import tpu_sc as plsc

N_EMBD = 64
PAD = 128
NC = 2
NS = 16
NW = NC * NS

BATCH = 4096
HIST = 200
TOTAL = BATCH * HIST
B_PER_W = TOTAL // NW
ROWS_PER_W = BATCH // NW
KB = 4
CHUNK = KB * HIST
N_CHUNKS = ROWS_PER_W // KB

_mesh = plsc.VectorSubcoreMesh(core_axis_name="c", subcore_axis_name="s")


@functools.partial(
    pl.kernel,
    mesh=_mesh,
    out_type=jax.ShapeDtypeStruct((BATCH, HIST, PAD), jnp.float32),
    scratch_types=[
        pltpu.VMEM((B_PER_W,), jnp.int32),
        pltpu.VMEM((CHUNK, N_EMBD), jnp.float32),
        pltpu.VMEM((CHUNK, N_EMBD), jnp.float32),
        pltpu.SemaphoreType.DMA,
        pltpu.SemaphoreType.DMA,
        pltpu.SemaphoreType.DMA,
        pltpu.SemaphoreType.DMA,
    ],
    compiler_params=pltpu.CompilerParams(use_tc_tiling_on_sc=False),
)
def _gather_rows(table_hbm, idx_hbm, out_hbm, idx_v, rows0, rows1,
                 gsem0, gsem1, ssem0, ssem1):
    wid = lax.axis_index("s") * NC + lax.axis_index("c")
    base = wid * B_PER_W
    row_base = wid * ROWS_PER_W

    pltpu.sync_copy(idx_hbm.at[pl.ds(base, B_PER_W)], idx_v)

    def gather_start(i, buf, sem):
        return pltpu.async_copy(
            table_hbm.at[idx_v.at[pl.ds(i * CHUNK, CHUNK)]], buf, sem)

    def scatter_start(i, buf, sem):
        b0 = row_base + i * KB
        for j in range(KB):
            pltpu.async_copy(
                buf.at[pl.ds(j * HIST, HIST)],
                out_hbm.at[b0 + j, :, pl.ds(0, N_EMBD)],
                sem)

    def scatter_wait(buf, sem):
        for j in range(KB):
            pltpu.make_async_copy(
                buf.at[pl.ds(j * HIST, HIST)],
                out_hbm.at[0, :, pl.ds(0, N_EMBD)],
                sem).wait()

    gather_start(0, rows0, gsem0)

    def body(i, carry):
        even = i % 2 == 0

        def step(rows_cur, rows_nxt, gsem_cur, gsem_nxt, ssem_cur, ssem_nxt):
            @pl.when(i + 1 < N_CHUNKS)
            def _():
                @pl.when(i >= 1)
                def _():
                    scatter_wait(rows_nxt, ssem_nxt)
                gather_start(i + 1, rows_nxt, gsem_nxt)

            pltpu.make_async_copy(
                table_hbm.at[idx_v.at[pl.ds(0, CHUNK)]], rows_cur, gsem_cur
            ).wait()
            scatter_start(i, rows_cur, ssem_cur)

        @pl.when(even)
        def _():
            step(rows0, rows1, gsem0, gsem1, ssem0, ssem1)

        @pl.when(jnp.logical_not(even))
        def _():
            step(rows1, rows0, gsem1, gsem0, ssem1, ssem0)

        return carry

    lax.fori_loop(0, N_CHUNKS, body, 0)

    scatter_wait(rows0, ssem0)
    scatter_wait(rows1, ssem1)


def kernel(x, food_vectors):
    flat = x.reshape(TOTAL)
    out = _gather_rows(food_vectors, flat)
    return out[:, :, :N_EMBD]

# --- scband reference (transcript-rebuilt; emitter-appended) ---
"""Pipeline reference for scband-compound-concentration-embeddings-69655779606978 (READ-ONLY COPY).

The authoritative reference and input builder live on the scoring server;
editing this copy changes nothing except your own understanding.
"""

import jax, jax.numpy as jnp
import numpy as np

VOCAB = 1000000
N_EMBD = 64
BATCH = 4096
HIST = 200


def setup_inputs(seed: int = 0) -> dict:
    key = jax.random.key(seed)
    k_tab, k_idx = jax.random.split(key)
    # food_vectors: frozen embedding table sized (vocab_size, n_embd)
    food_vectors = jax.random.normal(k_tab, (VOCAB, N_EMBD), dtype=jnp.float32)
    x = jax.random.randint(k_idx, (BATCH, HIST), 0, VOCAB, dtype=jnp.int32)
    return {"x": x, "food_vectors": food_vectors}


def reference(x, food_vectors):
    # CompoundConcentrationEmbeddings.forward: e = self.molecule_embedding(x)
    e = jnp.take(food_vectors, x, axis=0)
    return e

if __name__ == "__main__":
    import jax
    _d = setup_inputs()
    print(jax.jit(kernel)(*tuple(_d.values())))

</pallas_src>

<mosaic_0001>
#map = affine_map<(d0, d1) -> (0, 0)>
#map1 = affine_map<(d0, d1) -> (0)>
#map2 = affine_map<(d0, d1) -> (0, 0, 0)>
module attributes {stable_mosaic.version = 14 : i64} {
  func.func @_gather_rows(%arg0: i32, %arg1: i32, %arg2: memref<1000000x64xf32, #tpu.memory_space<hbm>>, %arg3: memref<819200xi32, #tpu.memory_space<hbm>>, %arg4: memref<4096x200x128xf32, #tpu.memory_space<hbm>>, %arg5: memref<25600xi32, #tpu.memory_space<vmem>>, %arg6: memref<800x64xf32, #tpu.memory_space<vmem>>, %arg7: memref<800x64xf32, #tpu.memory_space<vmem>>, %arg8: memref<!tpu.dma_semaphore, #tpu.memory_space<semaphore_mem>>, %arg9: memref<!tpu.dma_semaphore, #tpu.memory_space<semaphore_mem>>, %arg10: memref<!tpu.dma_semaphore, #tpu.memory_space<semaphore_mem>>, %arg11: memref<!tpu.dma_semaphore, #tpu.memory_space<semaphore_mem>>) attributes {dimension_semantics = [#tpu.dimension_semantics<core_parallel>, #tpu.dimension_semantics<subcore_parallel>], iteration_bounds = array<i64: 2, 16>, scalar_prefetch = 0 : i64, scratch_operands = 7 : i64, tpu.core_type = #tpu.core_type<sc_vector_subcore>, window_params = [{transform_indices = #map}, {transform_indices = #map1}, {transform_indices = #map2}]} {
    %mul3A = arith.constant 2 : i32
    %mul3A_0 = arith.muli %arg1, %mul3A : i32
    %add3A = arith.addi %mul3A_0, %arg0 : i32
    %mul3A_1 = arith.constant 25600 : i32
    %mul3A_2 = arith.muli %add3A, %mul3A_1 : i32
    %mul3A_3 = arith.constant 128 : i32
    %mul3A_4 = arith.muli %add3A, %mul3A_3 : i32
    "tpu.region"() ({
      %run_scoped3A = tpu.sem_alloc : memref<!tpu.dma_semaphore, #tpu.memory_space<semaphore_mem>>
      %dma_start3A_133 = tpu.memref_slice %arg3[%mul3A_2] : memref<819200xi32, #tpu.memory_space<hbm>> -> memref<25600xi32, #tpu.memory_space<hbm>>
      %dma_start3A_134 = tpu.memref_slice %arg3[%mul3A_2] : memref<819200xi32, #tpu.memory_space<hbm>> -> memref<25600xi32, #tpu.memory_space<hbm>>
      tpu.enqueue_dma source(%dma_start3A_134 : memref<25600xi32, #tpu.memory_space<hbm>>) target(%arg5 : memref<25600xi32, #tpu.memory_space<vmem>>) target_semaphore(%run_scoped3A : memref<!tpu.dma_semaphore, #tpu.memory_space<semaphore_mem>>)
      %dma_wait3A_135 = tpu.memref_slice %arg3[%mul3A_2] : memref<819200xi32, #tpu.memory_space<hbm>> -> memref<25600xi32, #tpu.memory_space<hbm>>
      %dma_wait3A_136 = tpu.memref_slice %arg3[%mul3A_2] : memref<819200xi32, #tpu.memory_space<hbm>> -> memref<25600xi32, #tpu.memory_space<hbm>>
      tpu.wait_dma2 semaphore(%run_scoped3A : memref<!tpu.dma_semaphore, #tpu.memory_space<semaphore_mem>>) src(%dma_wait3A_136 : memref<25600xi32, #tpu.memory_space<hbm>>) dst(%arg5 : memref<25600xi32, #tpu.memory_space<vmem>>)
      tpu.yield
    }) : () -> ()
    %dma_start3A = arith.constant 0 : i32
    %dma_start3A_5 = tpu.memref_slice %arg5[%dma_start3A] : memref<25600xi32, #tpu.memory_space<vmem>> -> memref<800xi32, #tpu.memory_space<vmem>>
    %dma_start3A_6 = arith.constant 0 : i32
    %dma_start3A_7 = arith.constant 0 : i32
    %dma_start3A_8 = tpu.memref_slice %arg2[%dma_start3A_6, %dma_start3A_7] : memref<1000000x64xf32, #tpu.memory_space<hbm>> -> memref<1000000x64xf32, #tpu.memory_space<hbm>>
    tpu.enqueue_indirect_dma source(%dma_start3A_8 : memref<1000000x64xf32, #tpu.memory_space<hbm>>) target(%arg6 : memref<800x64xf32, #tpu.memory_space<vmem>>) offsets(%dma_start3A_5 : memref<800xi32, #tpu.memory_space<vmem>>) semaphore(%arg8 : memref<!tpu.dma_semaphore, #tpu.memory_space<semaphore_mem>>)
    %scan3A = arith.constant 0 : i32
    %scan3A_9 = arith.constant 0 : i32
    %scan3A_10 = arith.constant 32 : i32
    %scan3A_11 = arith.addi %scan3A_9, %scan3A_10 : i32
    %scan3A_12 = arith.constant 1 : i32
    scf.for %scan3A_133 = %scan3A_9 to %scan3A_11 step %scan3A_12  : i32 {
      %jit3A = arith.constant 2 : i32
      %eq3A = arith.constant 0 : i32
      %eq3A_134 = arith.cmpi eq, %jit3A, %eq3A : i32
      %jit3A_135 = arith.constant 1 : i32
      %select_n3A = arith.select %eq3A_134, %jit3A_135, %jit3A : i32
      %rem3A = arith.remsi %scan3A_133, %select_n3A : i32
      %ne3A = arith.constant 0 : i32
      %ne3A_136 = arith.cmpi ne, %rem3A, %ne3A : i32
      %lt3A = arith.constant 0 : i32
      %lt3A_137 = arith.cmpi slt, %rem3A, %lt3A : i32
      %lt3A_138 = arith.constant 0 : i32
      %lt3A_139 = arith.cmpi slt, %select_n3A, %lt3A_138 : i32
      %ne3A_140 = arith.xori %lt3A_137, %lt3A_139 : i1
      %and3A = arith.andi %ne3A_140, %ne3A_136 : i1
      %add3A_141 = arith.addi %rem3A, %select_n3A : i32
      %select_n3A_142 = arith.select %and3A, %add3A_141, %rem3A : i32
      %eq3A_143 = arith.constant 0 : i32
      %eq3A_144 = arith.cmpi eq, %select_n3A_142, %eq3A_143 : i32
      %convert_element_type3A = arith.extui %eq3A_144 : i1 to i32
      %cond3A = arith.constant 0 : i32
      %cond3A_145 = arith.cmpi ne, %convert_element_type3A, %cond3A : i32
      scf.if %cond3A_145 {
        %add3A_150 = arith.constant 1 : i32
        %add3A_151 = arith.addi %scan3A_133, %add3A_150 : i32
        %lt3A_152 = arith.constant 32 : i32
        %lt3A_153 = arith.cmpi slt, %add3A_151, %lt3A_152 : i32
        %convert_element_type3A_154 = arith.extui %lt3A_153 : i1 to i32
        %cond3A_155 = arith.constant 0 : i32
        %cond3A_156 = arith.cmpi ne, %convert_element_type3A_154, %cond3A_155 : i32
        scf.if %cond3A_156 {
          %ge3A = arith.constant 1 : i32
          %ge3A_229 = arith.cmpi sge, %scan3A_133, %ge3A : i32
          %convert_element_type3A_230 = arith.extui %ge3A_229 : i1 to i32
          %cond3A_231 = arith.constant 0 : i32
          %cond3A_232 = arith.cmpi ne, %convert_element_type3A_230, %cond3A_231 : i32
          scf.if %cond3A_232 {
            %dma_wait3A_241 = arith.constant 0 : i32
            %dma_wait3A_242 = arith.constant 0 : i32
            %dma_wait3A_243 = arith.constant 0 : i32
            %dma_wait3A_244 = tpu.memref_slice %arg7[%dma_wait3A_242, %dma_wait3A_243] : memref<800x64xf32, #tpu.memory_space<vmem>> -> memref<200x64xf32, #tpu.memory_space<vmem>>
            %dma_wait3A_245 = arith.constant 0 : i32
            %dma_wait3A_246 = arith.constant 0 : i32
            %dma_wait3A_247 = tpu.memref_slice %arg4[%dma_wait3A_241, %dma_wait3A_245, %dma_wait3A_246] : memref<4096x200x128xf32, #tpu.memory_space<hbm>> -> memref<1x200x64xf32, #tpu.memory_space<hbm>>
            %dma_wait3A_248 = tpu.memref_squeeze %dma_wait3A_247 : memref<1x200x64xf32, #tpu.memory_space<hbm>> -> memref<200x64xf32, #tpu.memory_space<hbm>>
            %dma_wait3A_249 = arith.constant 0 : i32
            %dma_wait3A_250 = arith.constant 0 : i32
            %dma_wait3A_251 = tpu.memref_slice %arg4[%dma_wait3A_241, %dma_wait3A_249, %dma_wait3A_250] : memref<4096x200x128xf32, #tpu.memory_space<hbm>> -> memref<1x200x64xf32, #tpu.memory_space<hbm>>
            %dma_wait3A_252 = tpu.memref_squeeze %dma_wait3A_251 : memref<1x200x64xf32, #tpu.memory_space<hbm>> -> memref<200x64xf32, #tpu.memory_space<hbm>>
            %dma_wait3A_253 = arith.constant 0 : i32
            %dma_wait3A_254 = arith.constant 0 : i32
            %dma_wait3A_255 = tpu.memref_slice %arg7[%dma_wait3A_253, %dma_wait3A_254] : memref<800x64xf32, #tpu.memory_space<vmem>> -> memref<200x64xf32, #tpu.memory_space<vmem>>
            tpu.wait_dma2 semaphore(%arg11 : memref<!tpu.dma_semaphore, #tpu.memory_space<semaphore_mem>>) src(%dma_wait3A_255 : memref<200x64xf32, #tpu.memory_space<vmem>>) dst(%dma_wait3A_252 : memref<200x64xf32, #tpu.memory_space<hbm>>)
            %dma_wait3A_256 = arith.constant 0 : i32
            %dma_wait3A_257 = arith.constant 200 : i32
            %dma_wait3A_258 = arith.constant 0 : i32
            %dma_wait3A_259 = tpu.memref_slice %arg7[%dma_wait3A_257, %dma_wait3A_258] : memref<800x64xf32, #tpu.memory_space<vmem>> -> memref<200x64xf32, #tpu.memory_space<vmem>>
            %dma_wait3A_260 = arith.constant 0 : i32
            %dma_wait3A_261 = arith.constant 0 : i32
            %dma_wait3A_262 = tpu.memref_slice %arg4[%dma_wait3A_256, %dma_wait3A_260, %dma_wait3A_261] : memref<4096x200x128xf32, #tpu.memory_space<hbm>> -> memref<1x200x64xf32, #tpu.memory_space<hbm>>
            %dma_wait3A_263 = tpu.memref_squeeze %dma_wait3A_262 : memref<1x200x64xf32, #tpu.memory_space<hbm>> -> memref<200x64xf32, #tpu.memory_space<hbm>>
            %dma_wait3A_264 = arith.constant 0 : i32
            %dma_wait3A_265 = arith.constant 0 : i32
            %dma_wait3A_266 = tpu.memref_slice %arg4[%dma_wait3A_256, %dma_wait3A_264, %dma_wait3A_265] : memref<4096x200x128xf32, #tpu.memory_space<hbm>> -> memref<1x200x64xf32, #tpu.memory_space<hbm>>
            %dma_wait3A_267 = tpu.memref_squeeze %dma_wait3A_266 : memref<1x200x64xf32, #tpu.memory_space<hbm>> -> memref<200x64xf32, #tpu.memory_space<hbm>>
            %dma_wait3A_268 = arith.constant 200 : i32
            %dma_wait3A_269 = arith.constant 0 : i32
            %dma_wait3A_270 = tpu.memref_slice %arg7[%dma_wait3A_268, %dma_wait3A_269] : memref<800x64xf32, #tpu.memory_space<vmem>> -> memref<200x64xf32, #tpu.memory_space<vmem>>
            tpu.wait_dma2 semaphore(%arg11 : memref<!tpu.dma_semaphore, #tpu.memory_space<semaphore_mem>>) src(%dma_wait3A_270 : memref<200x64xf32, #tpu.memory_space<vmem>>) dst(%dma_wait3A_267 : memref<200x64xf32, #tpu.memory_space<hbm>>)
            %dma_wait3A_271 = arith.constant 0 : i32
            %dma_wait3A_272 = arith.constant 400 : i32
            %dma_wait3A_273 = arith.constant 0 : i32
            %dma_wait3A_274 = tpu.memref_slice %arg7[%dma_wait3A_272, %dma_wait3A_273] : memref<800x64xf32, #tpu.memory_space<vmem>> -> memref<200x64xf32, #tpu.memory_space<vmem>>
            %dma_wait3A_275 = arith.constant 0 : i32
            %dma_wait3A_276 = arith.constant 0 : i32
            %dma_wait3A_277 = tpu.memref_slice %arg4[%dma_wait3A_271, %dma_wait3A_275, %dma_wait3A_276] : memref<4096x200x128xf32, #tpu.memory_space<hbm>> -> memref<1x200x64xf32, #tpu.memory_space<hbm>>
            %dma_wait3A_278 = tpu.memref_squeeze %dma_wait3A_277 : memref<1x200x64xf32, #tpu.memory_space<hbm>> -> memref<200x64xf32, #tpu.memory_space<hbm>>
            %dma_wait3A_279 = arith.constant 0 : i32
            %dma_wait3A_280 = arith.constant 0 : i32
            %dma_wait3A_281 = tpu.memref_slice %arg4[%dma_wait3A_271, %dma_wait3A_279, %dma_wait3A_280] : memref<4096x200x128xf32, #tpu.memory_space<hbm>> -> memref<1x200x64xf32, #tpu.memory_space<hbm>>
            %dma_wait3A_282 = tpu.memref_squeeze %dma_wait3A_281 : memref<1x200x64xf32, #tpu.memory_space<hbm>> -> memref<200x64xf32, #tpu.memory_space<hbm>>
            %dma_wait3A_283 = arith.constant 400 : i32
            %dma_wait3A_284 = arith.constant 0 : i32
            %dma_wait3A_285 = tpu.memref_slice %arg7[%dma_wait3A_283, %dma_wait3A_284] : memref<800x64xf32, #tpu.memory_space<vmem>> -> memref<200x64xf32, #tpu.memory_space<vmem>>
            tpu.wait_dma2 semaphore(%arg11 : memref<!tpu.dma_semaphore, #tpu.memory_space<semaphore_mem>>) src(%dma_wait3A_285 : memref<200x64xf32, #tpu.memory_space<vmem>>) dst(%dma_wait3A_282 : memref<200x64xf32, #tpu.memory_space<hbm>>)
            %dma_wait3A_286 = arith.constant 0 : i32
            %dma_wait3A_287 = arith.constant 600 : i32
            %dma_wait3A_288 = arith.constant 0 : i32
            %dma_wait3A_289 = tpu.memref_slice %arg7[%dma_wait3A_287, %dma_wait3A_288] : memref<800x64xf32, #tpu.memory_space<vmem>> -> memref<200x64xf32, #tpu.memory_space<vmem>>
            %dma_wait3A_290 = arith.constant 0 : i32
            %dma_wait3A_291 = arith.constant 0 : i32
            %dma_wait3A_292 = tpu.memref_slice %arg4[%dma_wait3A_286, %dma_wait3A_290, %dma_wait3A_291] : memref<4096x200x128xf32, #tpu.memory_space<hbm>> -> memref<1x200x64xf32, #tpu.memory_space<hbm>>
            %dma_wait3A_293 = tpu.memref_squeeze %dma_wait3A_292 : memref<1x200x64xf32, #tpu.memory_space<hbm>> -> memref<200x64xf32, #tpu.memory_space<hbm>>
            %dma_wait3A_294 = arith.constant 0 : i32
            %dma_wait3A_295 = arith.constant 0 : i32
            %dma_wait3A_296 = tpu.memref_slice %arg4[%dma_wait3A_286, %dma_wait3A_294, %dma_wait3A_295] : memref<4096x200x128xf32, #tpu.memory_space<hbm>> -> memref<1x200x64xf32, #tpu.memory_space<hbm>>
            %dma_wait3A_297 = tpu.memref_squeeze %dma_wait3A_296 : memref<1x200x64xf32, #tpu.memory_space<hbm>> -> memref<200x64xf32, #tpu.memory_space<hbm>>
            %dma_wait3A_298 = arith.constant 600 : i32
            %dma_wait3A_299 = arith.constant 0 : i32
            %dma_wait3A_300 = tpu.memref_slice %arg7[%dma_wait3A_298, %dma_wait3A_299] : memref<800x64xf32, #tpu.memory_space<vmem>> -> memref<200x64xf32, #tpu.memory_space<vmem>>
            tpu.wait_dma2 semaphore(%arg11 : memref<!tpu.dma_semaphore, #tpu.memory_space<semaphore_mem>>) src(%dma_wait3A_300 : memref<200x64xf32, #tpu.memory_space<vmem>>) dst(%dma_wait3A_297 : memref<200x64xf32, #tpu.memory_space<hbm>>)
          } else {
          }
          %add3A_233 = arith.constant 1 : i32
          %add3A_234 = arith.addi %scan3A_133, %add3A_233 : i32
          %mul3A_235 = arith.constant 800 : i32
          %mul3A_236 = arith.muli %add3A_234, %mul3A_235 : i32
          %dma_start3A_237 = tpu.memref_slice %arg5[%mul3A_236] : memref<25600xi32, #tpu.memory_space<vmem>> -> memref<800xi32, #tpu.memory_space<vmem>>
          %dma_start3A_238 = arith.constant 0 : i32
          %dma_start3A_239 = arith.constant 0 : i32
          %dma_start3A_240 = tpu.memref_slice %arg2[%dma_start3A_238, %dma_start3A_239] : memref<1000000x64xf32, #tpu.memory_space<hbm>> -> memref<1000000x64xf32, #tpu.memory_space<hbm>>
          tpu.enqueue_indirect_dma source(%dma_start3A_240 : memref<1000000x64xf32, #tpu.memory_space<hbm>>) target(%arg7 : memref<800x64xf32, #tpu.memory_space<vmem>>) offsets(%dma_start3A_237 : memref<800xi32, #tpu.memory_space<vmem>>) semaphore(%arg9 : memref<!tpu.dma_semaphore, #tpu.memory_space<semaphore_mem>>)
        } else {
        }
        %dma_wait3A_157 = arith.constant 0 : i32
        %dma_wait3A_158 = tpu.memref_slice %arg5[%dma_wait3A_157] : memref<25600xi32, #tpu.memory_space<vmem>> -> memref<800xi32, #tpu.memory_space<vmem>>
        %dma_wait3A_159 = arith.constant 0 : i32
        %dma_wait3A_160 = arith.constant 0 : i32
        %dma_wait3A_161 = tpu.memref_slice %arg2[%dma_wait3A_159, %dma_wait3A_160] : memref<1000000x64xf32, #tpu.memory_space<hbm>> -> memref<1000000x64xf32, #tpu.memory_space<hbm>>
        tpu.wait_indirect_dma semaphore(%arg8 : memref<!tpu.dma_semaphore, #tpu.memory_space<semaphore_mem>>) src(%dma_wait3A_161 : memref<1000000x64xf32, #tpu.memory_space<hbm>>) dst(%arg6 : memref<800x64xf32, #tpu.memory_space<vmem>>)
        %mul3A_162 = arith.constant 4 : i32
        %mul3A_163 = arith.muli %scan3A_133, %mul3A_162 : i32
        %add3A_164 = arith.addi %mul3A_4, %mul3A_163 : i32
        %add3A_165 = arith.constant 0 : i32
        %add3A_166 = arith.addi %add3A_164, %add3A_165 : i32
        %dma_start3A_167 = arith.constant 0 : i32
        %dma_start3A_168 = arith.constant 0 : i32
        %dma_start3A_169 = tpu.memref_slice %arg6[%dma_start3A_167, %dma_start3A_168] : memref<800x64xf32, #tpu.memory_space<vmem>> -> memref<200x64xf32, #tpu.memory_space<vmem>>
        %dma_start3A_170 = arith.constant 0 : i32
        %dma_start3A_171 = arith.constant 0 : i32
        %dma_start3A_172 = tpu.memref_slice %arg4[%add3A_166, %dma_start3A_170, %dma_start3A_171] : memref<4096x200x128xf32, #tpu.memory_space<hbm>> -> memref<1x200x64xf32, #tpu.memory_space<hbm>>
        %dma_start3A_173 = tpu.memref_squeeze %dma_start3A_172 : memref<1x200x64xf32, #tpu.memory_space<hbm>> -> memref<200x64xf32, #tpu.memory_space<hbm>>
        %dma_start3A_174 = arith.constant 0 : i32
        %dma_start3A_175 = arith.constant 0 : i32
        %dma_start3A_176 = tpu.memref_slice %arg4[%add3A_166, %dma_start3A_174, %dma_start3A_175] : memref<4096x200x128xf32, #tpu.memory_space<hbm>> -> memref<1x200x64xf32, #tpu.memory_space<hbm>>
        %dma_start3A_177 = tpu.memref_squeeze %dma_start3A_176 : memref<1x200x64xf32, #tpu.memory_space<hbm>> -> memref<200x64xf32, #tpu.memory_space<hbm>>
        %dma_start3A_178 = arith.constant 0 : i32
        %dma_start3A_179 = arith.constant 0 : i32
        %dma_start3A_180 = tpu.memref_slice %arg6[%dma_start3A_178, %dma_start3A_179] : memref<800x64xf32, #tpu.memory_space<vmem>> -> memref<200x64xf32, #tpu.memory_space<vmem>>
        tpu.enqueue_dma source(%dma_start3A_180 : memref<200x64xf32, #tpu.memory_space<vmem>>) target(%dma_start3A_177 : memref<200x64xf32, #tpu.memory_space<hbm>>) target_semaphore(%arg10 : memref<!tpu.dma_semaphore, #tpu.memory_space<semaphore_mem>>)
        %add3A_181 = arith.constant 1 : i32
        %add3A_182 = arith.addi %add3A_164, %add3A_181 : i32
        %dma_start3A_183 = arith.constant 200 : i32
        %dma_start3A_184 = arith.constant 0 : i32
        %dma_start3A_185 = tpu.memref_slice %arg6[%dma_start3A_183, %dma_start3A_184] : memref<800x64xf32, #tpu.memory_space<vmem>> -> memref<200x64xf32, #tpu.memory_space<vmem>>
        %dma_start3A_186 = arith.constant 0 : i32
        %dma_start3A_187 = arith.constant 0 : i32
        %dma_start3A_188 = tpu.memref_slice %arg4[%add3A_182, %dma_start3A_186, %dma_start3A_187] : memref<4096x200x128xf32, #tpu.memory_space<hbm>> -> memref<1x200x64xf32, #tpu.memory_space<hbm>>
        %dma_start3A_189 = tpu.memref_squeeze %dma_start3A_188 : memref<1x200x64xf32, #tpu.memory_space<hbm>> -> memref<200x64xf32, #tpu.memory_space<hbm>>
        %dma_start3A_190 = arith.constant 0 : i32
        %dma_start3A_191 = arith.constant 0 : i32
        %dma_start3A_192 = tpu.memref_slice %arg4[%add3A_182, %dma_start3A_190, %dma_start3A_191] : memref<4096x200x128xf32, #tpu.memory_space<hbm>> -> memref<1x200x64xf32, #tpu.memory_space<hbm>>
        %dma_start3A_193 = tpu.memref_squeeze %dma_start3A_192 : memref<1x200x64xf32, #tpu.memory_space<hbm>> -> memref<200x64xf32, #tpu.memory_space<hbm>>
        %dma_start3A_194 = arith.constant 200 : i32
        %dma_start3A_195 = arith.constant 0 : i32
        %dma_start3A_196 = tpu.memref_slice %arg6[%dma_start3A_194, %dma_start3A_195] : memref<800x64xf32, #tpu.memory_space<vmem>> -> memref<200x64xf32, #tpu.memory_space<vmem>>
        tpu.enqueue_dma source(%dma_start3A_196 : memref<200x64xf32, #tpu.memory_space<vmem>>) target(%dma_start3A_193 : memref<200x64xf32, #tpu.memory_space<hbm>>) target_semaphore(%arg10 : memref<!tpu.dma_semaphore, #tpu.memory_space<semaphore_mem>>)
        %add3A_197 = arith.constant 2 : i32
        %add3A_198 = arith.addi %add3A_164, %add3A_197 : i32
        %dma_start3A_199 = arith.constant 400 : i32
        %dma_start3A_200 = arith.constant 0 : i32
        %dma_start3A_201 = tpu.memref_slice %arg6[%dma_start3A_199, %dma_start3A_200] : memref<800x64xf32, #tpu.memory_space<vmem>> -> memref<200x64xf32, #tpu.memory_space<vmem>>
        %dma_start3A_202 = arith.constant 0 : i32
        %dma_start3A_203 = arith.constant 0 : i32
        %dma_start3A_204 = tpu.memref_slice %arg4[%add3A_198, %dma_start3A_202, %dma_start3A_203] : memref<4096x200x128xf32, #tpu.memory_space<hbm>> -> memref<1x200x64xf32, #tpu.memory_space<hbm>>
        %dma_start3A_205 = tpu.memref_squeeze %dma_start3A_204 : memref<1x200x64xf32, #tpu.memory_space<hbm>> -> memref<200x64xf32, #tpu.memory_space<hbm>>
        %dma_start3A_206 = arith.constant 0 : i32
        %dma_start3A_207 = arith.constant 0 : i32
        %dma_start3A_208 = tpu.memref_slice %arg4[%add3A_198, %dma_start3A_206, %dma_start3A_207] : memref<4096x200x128xf32, #tpu.memory_space<hbm>> -> memref<1x200x64xf32, #tpu.memory_space<hbm>>
        %dma_start3A_209 = tpu.memref_squeeze %dma_start3A_208 : memref<1x200x64xf32, #tpu.memory_space<hbm>> -> memref<200x64xf32, #tpu.memory_space<hbm>>
        %dma_start3A_210 = arith.constant 400 : i32
        %dma_start3A_211 = arith.constant 0 : i32
        %dma_start3A_212 = tpu.memref_slice %arg6[%dma_start3A_210, %dma_start3A_211] : memref<800x64xf32, #tpu.memory_space<vmem>> -> memref<200x64xf32, #tpu.memory_space<vmem>>
        tpu.enqueue_dma source(%dma_start3A_212 : memref<200x64xf32, #tpu.memory_space<vmem>>) target(%dma_start3A_209 : memref<200x64xf32, #tpu.memory_space<hbm>>) target_semaphore(%arg10 : memref<!tpu.dma_semaphore, #tpu.memory_space<semaphore_mem>>)
        %add3A_213 = arith.constant 3 : i32
        %add3A_214 = arith.addi %add3A_164, %add3A_213 : i32
        %dma_start3A_215 = arith.constant 600 : i32
        %dma_start3A_216 = arith.constant 0 : i32
        %dma_start3A_217 = tpu.memref_slice %arg6[%dma_start3A_215, %dma_start3A_216] : memref<800x64xf32, #tpu.memory_space<vmem>> -> memref<200x64xf32, #tpu.memory_space<vmem>>
        %dma_start3A_218 = arith.constant 0 : i32
        %dma_start3A_219 = arith.constant 0 : i32
        %dma_start3A_220 = tpu.memref_slice %arg4[%add3A_214, %dma_start3A_218, %dma_start3A_219] : memref<4096x200x128xf32, #tpu.memory_space<hbm>> -> memref<1x200x64xf32, #tpu.memory_space<hbm>>
        %dma_start3A_221 = tpu.memref_squeeze %dma_start3A_220 : memref<1x200x64xf32, #tpu.memory_space<hbm>> -> memref<200x64xf32, #tpu.memory_space<hbm>>
        %dma_start3A_222 = arith.constant 0 : i32
        %dma_start3A_223 = arith.constant 0 : i32
        %dma_start3A_224 = tpu.memref_slice %arg4[%add3A_214, %dma_start3A_222, %dma_start3A_223] : memref<4096x200x128xf32, #tpu.memory_space<hbm>> -> memref<1x200x64xf32, #tpu.memory_space<hbm>>
        %dma_start3A_225 = tpu.memref_squeeze %dma_start3A_224 : memref<1x200x64xf32, #tpu.memory_space<hbm>> -> memref<200x64xf32, #tpu.memory_space<hbm>>
        %dma_start3A_226 = arith.constant 600 : i32
        %dma_start3A_227 = arith.constant 0 : i32
        %dma_start3A_228 = tpu.memref_slice %arg6[%dma_start3A_226, %dma_start3A_227] : memref<800x64xf32, #tpu.memory_space<vmem>> -> memref<200x64xf32, #tpu.memory_space<vmem>>
        tpu.enqueue_dma source(%dma_start3A_228 : memref<200x64xf32, #tpu.memory_space<vmem>>) target(%dma_start3A_225 : memref<200x64xf32, #tpu.memory_space<hbm>>) target_semaphore(%arg10 : memref<!tpu.dma_semaphore, #tpu.memory_space<semaphore_mem>>)
      } else {
      }
      %not3A = arith.constant true
      %not3A_146 = arith.xori %eq3A_144, %not3A : i1
      %convert_element_type3A_147 = arith.extui %not3A_146 : i1 to i32
      %cond3A_148 = arith.constant 0 : i32
      %cond3A_149 = arith.cmpi ne, %convert_element_type3A_147, %cond3A_148 : i32
      scf.if %cond3A_149 {
        %add3A_150 = arith.constant 1 : i32
        %add3A_151 = arith.addi %scan3A_133, %add3A_150 : i32
        %lt3A_152 = arith.constant 32 : i32
        %lt3A_153 = arith.cmpi slt, %add3A_151, %lt3A_152 : i32
        %convert_element_type3A_154 = arith.extui %lt3A_153 : i1 to i32
        %cond3A_155 = arith.constant 0 : i32
        %cond3A_156 = arith.cmpi ne, %convert_element_type3A_154, %cond3A_155 : i32
        scf.if %cond3A_156 {
          %ge3A = arith.constant 1 : i32
          %ge3A_229 = arith.cmpi sge, %scan3A_133, %ge3A : i32
          %convert_element_type3A_230 = arith.extui %ge3A_229 : i1 to i32
          %cond3A_231 = arith.constant 0 : i32
          %cond3A_232 = arith.cmpi ne, %convert_element_type3A_230, %cond3A_231 : i32
          scf.if %cond3A_232 {
            %dma_wait3A_241 = arith.constant 0 : i32
            %dma_wait3A_242 = arith.constant 0 : i32
            %dma_wait3A_243 = arith.constant 0 : i32
            %dma_wait3A_244 = tpu.memref_slice %arg6[%dma_wait3A_242, %dma_wait3A_243] : memref<800x64xf32, #tpu.memory_space<vmem>> -> memref<200x64xf32, #tpu.memory_space<vmem>>
            %dma_wait3A_245 = arith.constant 0 : i32
            %dma_wait3A_246 = arith.constant 0 : i32
            %dma_wait3A_247 = tpu.memref_slice %arg4[%dma_wait3A_241, %dma_wait3A_245, %dma_wait3A_246] : memref<4096x200x128xf32, #tpu.memory_space<hbm>> -> memref<1x200x64xf32, #tpu.memory_space<hbm>>
            %dma_wait3A_248 = tpu.memref_squeeze %dma_wait3A_247 : memref<1x200x64xf32, #tpu.memory_space<hbm>> -> memref<200x64xf32, #tpu.memory_space<hbm>>
            %dma_wait3A_249 = arith.constant 0 : i32
            %dma_wait3A_250 = arith.constant 0 : i32
            %dma_wait3A_251 = tpu.memref_slice %arg4[%dma_wait3A_241, %dma_wait3A_249, %dma_wait3A_250] : memref<4096x200x128xf32, #tpu.memory_space<hbm>> -> memref<1x200x64xf32, #tpu.memory_space<hbm>>
            %dma_wait3A_252 = tpu.memref_squeeze %dma_wait3A_251 : memref<1x200x64xf32, #tpu.memory_space<hbm>> -> memref<200x64xf32, #tpu.memory_space<hbm>>
            %dma_wait3A_253 = arith.constant 0 : i32
            %dma_wait3A_254 = arith.constant 0 : i32
            %dma_wait3A_255 = tpu.memref_slice %arg6[%dma_wait3A_253, %dma_wait3A_254] : memref<800x64xf32, #tpu.memory_space<vmem>> -> memref<200x64xf32, #tpu.memory_space<vmem>>
            tpu.wait_dma2 semaphore(%arg10 : memref<!tpu.dma_semaphore, #tpu.memory_space<semaphore_mem>>) src(%dma_wait3A_255 : memref<200x64xf32, #tpu.memory_space<vmem>>) dst(%dma_wait3A_252 : memref<200x64xf32, #tpu.memory_space<hbm>>)
            %dma_wait3A_256 = arith.constant 0 : i32
            %dma_wait3A_257 = arith.constant 200 : i32
            %dma_wait3A_258 = arith.constant 0 : i32
            %dma_wait3A_259 = tpu.memref_slice %arg6[%dma_wait3A_257, %dma_wait3A_258] : memref<800x64xf32, #tpu.memory_space<vmem>> -> memref<200x64xf32, #tpu.memory_space<vmem>>
            %dma_wait3A_260 = arith.constant 0 : i32
            %dma_wait3A_261 = arith.constant 0 : i32
            %dma_wait3A_262 = tpu.memref_slice %arg4[%dma_wait3A_256, %dma_wait3A_260, %dma_wait3A_261] : memref<4096x200x128xf32, #tpu.memory_space<hbm>> -> memref<1x200x64xf32, #tpu.memory_space<hbm>>
            %dma_wait3A_263 = tpu.memref_squeeze %dma_wait3A_262 : memref<1x200x64xf32, #tpu.memory_space<hbm>> -> memref<200x64xf32, #tpu.memory_space<hbm>>
            %dma_wait3A_264 = arith.constant 0 : i32
            %dma_wait3A_265 = arith.constant 0 : i32
            %dma_wait3A_266 = tpu.memref_slice %arg4[%dma_wait3A_256, %dma_wait3A_264, %dma_wait3A_265] : memref<4096x200x128xf32, #tpu.memory_space<hbm>> -> memref<1x200x64xf32, #tpu.memory_space<hbm>>
            %dma_wait3A_267 = tpu.memref_squeeze %dma_wait3A_266 : memref<1x200x64xf32, #tpu.memory_space<hbm>> -> memref<200x64xf32, #tpu.memory_space<hbm>>
            %dma_wait3A_268 = arith.constant 200 : i32
            %dma_wait3A_269 = arith.constant 0 : i32
            %dma_wait3A_270 = tpu.memref_slice %arg6[%dma_wait3A_268, %dma_wait3A_269] : memref<800x64xf32, #tpu.memory_space<vmem>> -> memref<200x64xf32, #tpu.memory_space<vmem>>
            tpu.wait_dma2 semaphore(%arg10 : memref<!tpu.dma_semaphore, #tpu.memory_space<semaphore_mem>>) src(%dma_wait3A_270 : memref<200x64xf32, #tpu.memory_space<vmem>>) dst(%dma_wait3A_267 : memref<200x64xf32, #tpu.memory_space<hbm>>)
            %dma_wait3A_271 = arith.constant 0 : i32
            %dma_wait3A_272 = arith.constant 400 : i32
            %dma_wait3A_273 = arith.constant 0 : i32
            %dma_wait3A_274 = tpu.memref_slice %arg6[%dma_wait3A_272, %dma_wait3A_273] : memref<800x64xf32, #tpu.memory_space<vmem>> -> memref<200x64xf32, #tpu.memory_space<vmem>>
            %dma_wait3A_275 = arith.constant 0 : i32
            %dma_wait3A_276 = arith.constant 0 : i32
            %dma_wait3A_277 = tpu.memref_slice %arg4[%dma_wait3A_271, %dma_wait3A_275, %dma_wait3A_276] : memref<4096x200x128xf32, #tpu.memory_space<hbm>> -> memref<1x200x64xf32, #tpu.memory_space<hbm>>
            %dma_wait3A_278 = tpu.memref_squeeze %dma_wait3A_277 : memref<1x200x64xf32, #tpu.memory_space<hbm>> -> memref<200x64xf32, #tpu.memory_space<hbm>>
            %dma_wait3A_279 = arith.constant 0 : i32
            %dma_wait3A_280 = arith.constant 0 : i32
            %dma_wait3A_281 = tpu.memref_slice %arg4[%dma_wait3A_271, %dma_wait3A_279, %dma_wait3A_280] : memref<4096x200x128xf32, #tpu.memory_space<hbm>> -> memref<1x200x64xf32, #tpu.memory_space<hbm>>
            %dma_wait3A_282 = tpu.memref_squeeze %dma_wait3A_281 : memref<1x200x64xf32, #tpu.memory_space<hbm>> -> memref<200x64xf32, #tpu.memory_space<hbm>>
            %dma_wait3A_283 = arith.constant 400 : i32
            %dma_wait3A_284 = arith.constant 0 : i32
            %dma_wait3A_285 = tpu.memref_slice %arg6[%dma_wait3A_283, %dma_wait3A_284] : memref<800x64xf32, #tpu.memory_space<vmem>> -> memref<200x64xf32, #tpu.memory_space<vmem>>
            tpu.wait_dma2 semaphore(%arg10 : memref<!tpu.dma_semaphore, #tpu.memory_space<semaphore_mem>>) src(%dma_wait3A_285 : memref<200x64xf32, #tpu.memory_space<vmem>>) dst(%dma_wait3A_282 : memref<200x64xf32, #tpu.memory_space<hbm>>)
            %dma_wait3A_286 = arith.constant 0 : i32
            %dma_wait3A_287 = arith.constant 600 : i32
            %dma_wait3A_288 = arith.constant 0 : i32
            %dma_wait3A_289 = tpu.memref_slice %arg6[%dma_wait3A_287, %dma_wait3A_288] : memref<800x64xf32, #tpu.memory_space<vmem>> -> memref<200x64xf32, #tpu.memory_space<vmem>>
            %dma_wait3A_290 = arith.constant 0 : i32
            %dma_wait3A_291 = arith.constant 0 : i32
            %dma_wait3A_292 = tpu.memref_slice %arg4[%dma_wait3A_286, %dma_wait3A_290, %dma_wait3A_291] : memref<4096x200x128xf32, #tpu.memory_space<hbm>> -> memref<1x200x64xf32, #tpu.memory_space<hbm>>
            %dma_wait3A_293 = tpu.memref_squeeze %dma_wait3A_292 : memref<1x200x64xf32, #tpu.memory_space<hbm>> -> memref<200x64xf32, #tpu.memory_space<hbm>>
            %dma_wait3A_294 = arith.constant 0 : i32
            %dma_wait3A_295 = arith.constant 0 : i32
            %dma_wait3A_296 = tpu.memref_slice %arg4[%dma_wait3A_286, %dma_wait3A_294, %dma_wait3A_295] : memref<4096x200x128xf32, #tpu.memory_space<hbm>> -> memref<1x200x64xf32, #tpu.memory_space<hbm>>
            %dma_wait3A_297 = tpu.memref_squeeze %dma_wait3A_296 : memref<1x200x64xf32, #tpu.memory_space<hbm>> -> memref<200x64xf32, #tpu.memory_space<hbm>>
            %dma_wait3A_298 = arith.constant 600 : i32
            %dma_wait3A_299 = arith.constant 0 : i32
            %dma_wait3A_300 = tpu.memref_slice %arg6[%dma_wait3A_298, %dma_wait3A_299] : memref<800x64xf32, #tpu.memory_space<vmem>> -> memref<200x64xf32, #tpu.memory_space<vmem>>
            tpu.wait_dma2 semaphore(%arg10 : memref<!tpu.dma_semaphore, #tpu.memory_space<semaphore_mem>>) src(%dma_wait3A_300 : memref<200x64xf32, #tpu.memory_space<vmem>>) dst(%dma_wait3A_297 : memref<200x64xf32, #tpu.memory_space<hbm>>)
          } else {
          }
          %add3A_233 = arith.constant 1 : i32
          %add3A_234 = arith.addi %scan3A_133, %add3A_233 : i32
          %mul3A_235 = arith.constant 800 : i32
          %mul3A_236 = arith.muli %add3A_234, %mul3A_235 : i32
          %dma_start3A_237 = tpu.memref_slice %arg5[%mul3A_236] : memref<25600xi32, #tpu.memory_space<vmem>> -> memref<800xi32, #tpu.memory_space<vmem>>
          %dma_start3A_238 = arith.constant 0 : i32
          %dma_start3A_239 = arith.constant 0 : i32
          %dma_start3A_240 = tpu.memref_slice %arg2[%dma_start3A_238, %dma_start3A_239] : memref<1000000x64xf32, #tpu.memory_space<hbm>> -> memref<1000000x64xf32, #tpu.memory_space<hbm>>
          tpu.enqueue_indirect_dma source(%dma_start3A_240 : memref<1000000x64xf32, #tpu.memory_space<hbm>>) target(%arg6 : memref<800x64xf32, #tpu.memory_space<vmem>>) offsets(%dma_start3A_237 : memref<800xi32, #tpu.memory_space<vmem>>) semaphore(%arg8 : memref<!tpu.dma_semaphore, #tpu.memory_space<semaphore_mem>>)
        } else {
        }
        %dma_wait3A_157 = arith.constant 0 : i32
        %dma_wait3A_158 = tpu.memref_slice %arg5[%dma_wait3A_157] : memref<25600xi32, #tpu.memory_space<vmem>> -> memref<800xi32, #tpu.memory_space<vmem>>
        %dma_wait3A_159 = arith.constant 0 : i32
        %dma_wait3A_160 = arith.constant 0 : i32
        %dma_wait3A_161 = tpu.memref_slice %arg2[%dma_wait3A_159, %dma_wait3A_160] : memref<1000000x64xf32, #tpu.memory_space<hbm>> -> memref<1000000x64xf32, #tpu.memory_space<hbm>>
        tpu.wait_indirect_dma semaphore(%arg9 : memref<!tpu.dma_semaphore, #tpu.memory_space<semaphore_mem>>) src(%dma_wait3A_161 : memref<1000000x64xf32, #tpu.memory_space<hbm>>) dst(%arg7 : memref<800x64xf32, #tpu.memory_space<vmem>>)
        %mul3A_162 = arith.constant 4 : i32
        %mul3A_163 = arith.muli %scan3A_133, %mul3A_162 : i32
        %add3A_164 = arith.addi %mul3A_4, %mul3A_163 : i32
        %add3A_165 = arith.constant 0 : i32
        %add3A_166 = arith.addi %add3A_164, %add3A_165 : i32
        %dma_start3A_167 = arith.constant 0 : i32
        %dma_start3A_168 = arith.constant 0 : i32
        %dma_start3A_169 = tpu.memref_slice %arg7[%dma_start3A_167, %dma_start3A_168] : memref<800x64xf32, #tpu.memory_space<vmem>> -> memref<200x64xf32, #tpu.memory_space<vmem>>
        %dma_start3A_170 = arith.constant 0 : i32
        %dma_start3A_171 = arith.constant 0 : i32
        %dma_start3A_172 = tpu.memref_slice %arg4[%add3A_166, %dma_start3A_170, %dma_start3A_171] : memref<4096x200x128xf32, #tpu.memory_space<hbm>> -> memref<1x200x64xf32, #tpu.memory_space<hbm>>
        %dma_start3A_173 = tpu.memref_squeeze %dma_start3A_172 : memref<1x200x64xf32, #tpu.memory_space<hbm>> -> memref<200x64xf32, #tpu.memory_space<hbm>>
        %dma_start3A_174 = arith.constant 0 : i32
        %dma_start3A_175 = arith.constant 0 : i32
        %dma_start3A_176 = tpu.memref_slice %arg4[%add3A_166, %dma_start3A_174, %dma_start3A_175] : memref<4096x200x128xf32, #tpu.memory_space<hbm>> -> memref<1x200x64xf32, #tpu.memory_space<hbm>>
        %dma_start3A_177 = tpu.memref_squeeze %dma_start3A_176 : memref<1x200x64xf32, #tpu.memory_space<hbm>> -> memref<200x64xf32, #tpu.memory_space<hbm>>
        %dma_start3A_178 = arith.constant 0 : i32
        %dma_start3A_179 = arith.constant 0 : i32
        %dma_start3A_180 = tpu.memref_slice %arg7[%dma_start3A_178, %dma_start3A_179] : memref<800x64xf32, #tpu.memory_space<vmem>> -> memref<200x64xf32, #tpu.memory_space<vmem>>
        tpu.enqueue_dma source(%dma_start3A_180 : memref<200x64xf32, #tpu.memory_space<vmem>>) target(%dma_start3A_177 : memref<200x64xf32, #tpu.memory_space<hbm>>) target_semaphore(%arg11 : memref<!tpu.dma_semaphore, #tpu.memory_space<semaphore_mem>>)
        %add3A_181 = arith.constant 1 : i32
        %add3A_182 = arith.addi %add3A_164, %add3A_181 : i32
        %dma_start3A_183 = arith.constant 200 : i32
        %dma_start3A_184 = arith.constant 0 : i32
        %dma_start3A_185 = tpu.memref_slice %arg7[%dma_start3A_183, %dma_start3A_184] : memref<800x64xf32, #tpu.memory_space<vmem>> -> memref<200x64xf32, #tpu.memory_space<vmem>>
        %dma_start3A_186 = arith.constant 0 : i32
        %dma_start3A_187 = arith.constant 0 : i32
        %dma_start3A_188 = tpu.memref_slice %arg4[%add3A_182, %dma_start3A_186, %dma_start3A_187] : memref<4096x200x128xf32, #tpu.memory_space<hbm>> -> memref<1x200x64xf32, #tpu.memory_space<hbm>>
        %dma_start3A_189 = tpu.memref_squeeze %dma_start3A_188 : memref<1x200x64xf32, #tpu.memory_space<hbm>> -> memref<200x64xf32, #tpu.memory_space<hbm>>
        %dma_start3A_190 = arith.constant 0 : i32
        %dma_start3A_191 = arith.constant 0 : i32
        %dma_start3A_192 = tpu.memref_slice %arg4[%add3A_182, %dma_start3A_190, %dma_start3A_191] : memref<4096x200x128xf32, #tpu.memory_space<hbm>> -> memref<1x200x64xf32, #tpu.memory_space<hbm>>
        %dma_start3A_193 = tpu.memref_squeeze %dma_start3A_192 : memref<1x200x64xf32, #tpu.memory_space<hbm>> -> memref<200x64xf32, #tpu.memory_space<hbm>>
        %dma_start3A_194 = arith.constant 200 : i32
        %dma_start3A_195 = arith.constant 0 : i32
        %dma_start3A_196 = tpu.memref_slice %arg7[%dma_start3A_194, %dma_start3A_195] : memref<800x64xf32, #tpu.memory_space<vmem>> -> memref<200x64xf32, #tpu.memory_space<vmem>>
        tpu.enqueue_dma source(%dma_start3A_196 : memref<200x64xf32, #tpu.memory_space<vmem>>) target(%dma_start3A_193 : memref<200x64xf32, #tpu.memory_space<hbm>>) target_semaphore(%arg11 : memref<!tpu.dma_semaphore, #tpu.memory_space<semaphore_mem>>)
        %add3A_197 = arith.constant 2 : i32
        %add3A_198 = arith.addi %add3A_164, %add3A_197 : i32
        %dma_start3A_199 = arith.constant 400 : i32
        %dma_start3A_200 = arith.constant 0 : i32
        %dma_start3A_201 = tpu.memref_slice %arg7[%dma_start3A_199, %dma_start3A_200] : memref<800x64xf32, #tpu.memory_space<vmem>> -> memref<200x64xf32, #tpu.memory_space<vmem>>
        %dma_start3A_202 = arith.constant 0 : i32
        %dma_start3A_203 = arith.constant 0 : i32
        %dma_start3A_204 = tpu.memref_slice %arg4[%add3A_198, %dma_start3A_202, %dma_start3A_203] : memref<4096x200x128xf32, #tpu.memory_space<hbm>> -> memref<1x200x64xf32, #tpu.memory_space<hbm>>
        %dma_start3A_205 = tpu.memref_squeeze %dma_start3A_204 : memref<1x200x64xf32, #tpu.memory_space<hbm>> -> memref<200x64xf32, #tpu.memory_space<hbm>>
        %dma_start3A_206 = arith.constant 0 : i32
        %dma_start3A_207 = arith.constant 0 : i32
        %dma_start3A_208 = tpu.memref_slice %arg4[%add3A_198, %dma_start3A_206, %dma_start3A_207] : memref<4096x200x128xf32, #tpu.memory_space<hbm>> -> memref<1x200x64xf32, #tpu.memory_space<hbm>>
        %dma_start3A_209 = tpu.memref_squeeze %dma_start3A_208 : memref<1x200x64xf32, #tpu.memory_space<hbm>> -> memref<200x64xf32, #tpu.memory_space<hbm>>
        %dma_start3A_210 = arith.constant 400 : i32
        %dma_start3A_211 = arith.constant 0 : i32
        %dma_start3A_212 = tpu.memref_slice %arg7[%dma_start3A_210, %dma_start3A_211] : memref<800x64xf32, #tpu.memory_space<vmem>> -> memref<200x64xf32, #tpu.memory_space<vmem>>
        tpu.enqueue_dma source(%dma_start3A_212 : memref<200x64xf32, #tpu.memory_space<vmem>>) target(%dma_start3A_209 : memref<200x64xf32, #tpu.memory_space<hbm>>) target_semaphore(%arg11 : memref<!tpu.dma_semaphore, #tpu.memory_space<semaphore_mem>>)
        %add3A_213 = arith.constant 3 : i32
        %add3A_214 = arith.addi %add3A_164, %add3A_213 : i32
        %dma_start3A_215 = arith.constant 600 : i32
        %dma_start3A_216 = arith.constant 0 : i32
        %dma_start3A_217 = tpu.memref_slice %arg7[%dma_start3A_215, %dma_start3A_216] : memref<800x64xf32, #tpu.memory_space<vmem>> -> memref<200x64xf32, #tpu.memory_space<vmem>>
        %dma_start3A_218 = arith.constant 0 : i32
        %dma_start3A_219 = arith.constant 0 : i32
        %dma_start3A_220 = tpu.memref_slice %arg4[%add3A_214, %dma_start3A_218, %dma_start3A_219] : memref<4096x200x128xf32, #tpu.memory_space<hbm>> -> memref<1x200x64xf32, #tpu.memory_space<hbm>>
        %dma_start3A_221 = tpu.memref_squeeze %dma_start3A_220 : memref<1x200x64xf32, #tpu.memory_space<hbm>> -> memref<200x64xf32, #tpu.memory_space<hbm>>
        %dma_start3A_222 = arith.constant 0 : i32
        %dma_start3A_223 = arith.constant 0 : i32
        %dma_start3A_224 = tpu.memref_slice %arg4[%add3A_214, %dma_start3A_222, %dma_start3A_223] : memref<4096x200x128xf32, #tpu.memory_space<hbm>> -> memref<1x200x64xf32, #tpu.memory_space<hbm>>
        %dma_start3A_225 = tpu.memref_squeeze %dma_start3A_224 : memref<1x200x64xf32, #tpu.memory_space<hbm>> -> memref<200x64xf32, #tpu.memory_space<hbm>>
        %dma_start3A_226 = arith.constant 600 : i32
        %dma_start3A_227 = arith.constant 0 : i32
        %dma_start3A_228 = tpu.memref_slice %arg7[%dma_start3A_226, %dma_start3A_227] : memref<800x64xf32, #tpu.memory_space<vmem>> -> memref<200x64xf32, #tpu.memory_space<vmem>>
        tpu.enqueue_dma source(%dma_start3A_228 : memref<200x64xf32, #tpu.memory_space<vmem>>) target(%dma_start3A_225 : memref<200x64xf32, #tpu.memory_space<hbm>>) target_semaphore(%arg11 : memref<!tpu.dma_semaphore, #tpu.memory_space<semaphore_mem>>)
      } else {
      }
    }
    %scan3A_13 = arith.constant 32 : i32
    %dma_wait3A = arith.constant 0 : i32
    %dma_wait3A_14 = arith.constant 0 : i32
    %dma_wait3A_15 = arith.constant 0 : i32
    %dma_wait3A_16 = tpu.memref_slice %arg6[%dma_wait3A_14, %dma_wait3A_15] : memref<800x64xf32, #tpu.memory_space<vmem>> -> memref<200x64xf32, #tpu.memory_space<vmem>>
    %dma_wait3A_17 = arith.constant 0 : i32
    %dma_wait3A_18 = arith.constant 0 : i32
    %dma_wait3A_19 = tpu.memref_slice %arg4[%dma_wait3A, %dma_wait3A_17, %dma_wait3A_18] : memref<4096x200x128xf32, #tpu.memory_space<hbm>> -> memref<1x200x64xf32, #tpu.memory_space<hbm>>
    %dma_wait3A_20 = tpu.memref_squeeze %dma_wait3A_19 : memref<1x200x64xf32, #tpu.memory_space<hbm>> -> memref<200x64xf32, #tpu.memory_space<hbm>>
    %dma_wait3A_21 = arith.constant 0 : i32
    %dma_wait3A_22 = arith.constant 0 : i32
    %dma_wait3A_23 = tpu.memref_slice %arg4[%dma_wait3A, %dma_wait3A_21, %dma_wait3A_22] : memref<4096x200x128xf32, #tpu.memory_space<hbm>> -> memref<1x200x64xf32, #tpu.memory_space<hbm>>
    %dma_wait3A_24 = tpu.memref_squeeze %dma_wait3A_23 : memref<1x200x64xf32, #tpu.memory_space<hbm>> -> memref<200x64xf32, #tpu.memory_space<hbm>>
    %dma_wait3A_25 = arith.constant 0 : i32
    %dma_wait3A_26 = arith.constant 0 : i32
    %dma_wait3A_27 = tpu.memref_slice %arg6[%dma_wait3A_25, %dma_wait3A_26] : memref<800x64xf32, #tpu.memory_space<vmem>> -> memref<200x64xf32, #tpu.memory_space<vmem>>
    tpu.wait_dma2 semaphore(%arg10 : memref<!tpu.dma_semaphore, #tpu.memory_space<semaphore_mem>>) src(%dma_wait3A_27 : memref<200x64xf32, #tpu.memory_space<vmem>>) dst(%dma_wait3A_24 : memref<200x64xf32, #tpu.memory_space<hbm>>)
    %dma_wait3A_28 = arith.constant 0 : i32
    %dma_wait3A_29 = arith.constant 200 : i32
    %dma_wait3A_30 = arith.constant 0 : i32
    %dma_wait3A_31 = tpu.memref_slice %arg6[%dma_wait3A_29, %dma_wait3A_30] : memref<800x64xf32, #tpu.memory_space<vmem>> -> memref<200x64xf32, #tpu.memory_space<vmem>>
    %dma_wait3A_32 = arith.constant 0 : i32
    %dma_wait3A_33 = arith.constant 0 : i32
    %dma_wait3A_34 = tpu.memref_slice %arg4[%dma_wait3A_28, %dma_wait3A_32, %dma_wait3A_33] : memref<4096x200x128xf32, #tpu.memory_space<hbm>> -> memref<1x200x64xf32, #tpu.memory_space<hbm>>
    %dma_wait3A_35 = tpu.memref_squeeze %dma_wait3A_34 : memref<1x200x64xf32, #tpu.memory_space<hbm>> -> memref<200x64xf32, #tpu.memory_space<hbm>>
    %dma_wait3A_36 = arith.constant 0 : i32
    %dma_wait3A_37 = arith.constant 0 : i32
    %dma_wait3A_38 = tpu.memref_slice %arg4[%dma_wait3A_28, %dma_wait3A_36, %dma_wait3A_37] : memref<4096x200x128xf32, #tpu.memory_space<hbm>> -> memref<1x200x64xf32, #tpu.memory_space<hbm>>
    %dma_wait3A_39 = tpu.memref_squeeze %dma_wait3A_38 : memref<1x200x64xf32, #tpu.memory_space<hbm>> -> memref<200x64xf32, #tpu.memory_space<hbm>>
    %dma_wait3A_40 = arith.constant 200 : i32
    %dma_wait3A_41 = arith.constant 0 : i32
    %dma_wait3A_42 = tpu.memref_slice %arg6[%dma_wait3A_40, %dma_wait3A_41] : memref<800x64xf32, #tpu.memory_space<vmem>> -> memref<200x64xf32, #tpu.memory_space<vmem>>
    tpu.wait_dma2 semaphore(%arg10 : memref<!tpu.dma_semaphore, #tpu.memory_space<semaphore_mem>>) src(%dma_wait3A_42 : memref<200x64xf32, #tpu.memory_space<vmem>>) dst(%dma_wait3A_39 : memref<200x64xf32, #tpu.memory_space<hbm>>)
    %dma_wait3A_43 = arith.constant 0 : i32
    %dma_wait3A_44 = arith.constant 400 : i32
    %dma_wait3A_45 = arith.constant 0 : i32
    %dma_wait3A_46 = tpu.memref_slice %arg6[%dma_wait3A_44, %dma_wait3A_45] : memref<800x64xf32, #tpu.memory_space<vmem>> -> memref<200x64xf32, #tpu.memory_space<vmem>>
    %dma_wait3A_47 = arith.constant 0 : i32
    %dma_wait3A_48 = arith.constant 0 : i32
    %dma_wait3A_49 = tpu.memref_slice %arg4[%dma_wait3A_43, %dma_wait3A_47, %dma_wait3A_48] : memref<4096x200x128xf32, #tpu.memory_space<hbm>> -> memref<1x200x64xf32, #tpu.memory_space<hbm>>
    %dma_wait3A_50 = tpu.memref_squeeze %dma_wait3A_49 : memref<1x200x64xf32, #tpu.memory_space<hbm>> -> memref<200x64xf32, #tpu.memory_space<hbm>>
    %dma_wait3A_51 = arith.constant 0 : i32
    %dma_wait3A_52 = arith.constant 0 : i32
    %dma_wait3A_53 = tpu.memref_slice %arg4[%dma_wait3A_43, %dma_wait3A_51, %dma_wait3A_52] : memref<4096x200x128xf32, #tpu.memory_space<hbm>> -> memref<1x200x64xf32, #tpu.memory_space<hbm>>
    %dma_wait3A_54 = tpu.memref_squeeze %dma_wait3A_53 : memref<1x200x64xf32, #tpu.memory_space<hbm>> -> memref<200x64xf32, #tpu.memory_space<hbm>>
    %dma_wait3A_55 = arith.constant 400 : i32
    %dma_wait3A_56 = arith.constant 0 : i32
    %dma_wait3A_57 = tpu.memref_slice %arg6[%dma_wait3A_55, %dma_wait3A_56] : memref<800x64xf32, #tpu.memory_space<vmem>> -> memref<200x64xf32, #tpu.memory_space<vmem>>
    tpu.wait_dma2 semaphore(%arg10 : memref<!tpu.dma_semaphore, #tpu.memory_space<semaphore_mem>>) src(%dma_wait3A_57 : memref<200x64xf32, #tpu.memory_space<vmem>>) dst(%dma_wait3A_54 : memref<200x64xf32, #tpu.memory_space<hbm>>)
    %dma_wait3A_58 = arith.constant 0 : i32
    %dma_wait3A_59 = arith.constant 600 : i32
    %dma_wait3A_60 = arith.constant 0 : i32
    %dma_wait3A_61 = tpu.memref_slice %arg6[%dma_wait3A_59, %dma_wait3A_60] : memref<800x64xf32, #tpu.memory_space<vmem>> -> memref<200x64xf32, #tpu.memory_space<vmem>>
    %dma_wait3A_62 = arith.constant 0 : i32
    %dma_wait3A_63 = arith.constant 0 : i32
    %dma_wait3A_64 = tpu.memref_slice %arg4[%dma_wait3A_58, %dma_wait3A_62, %dma_wait3A_63] : memref<4096x200x128xf32, #tpu.memory_space<hbm>> -> memref<1x200x64xf32, #tpu.memory_space<hbm>>
    %dma_wait3A_65 = tpu.memref_squeeze %dma_wait3A_64 : memref<1x200x64xf32, #tpu.memory_space<hbm>> -> memref<200x64xf32, #tpu.memory_space<hbm>>
    %dma_wait3A_66 = arith.constant 0 : i32
    %dma_wait3A_67 = arith.constant 0 : i32
    %dma_wait3A_68 = tpu.memref_slice %arg4[%dma_wait3A_58, %dma_wait3A_66, %dma_wait3A_67] : memref<4096x200x128xf32, #tpu.memory_space<hbm>> -> memref<1x200x64xf32, #tpu.memory_space<hbm>>
    %dma_wait3A_69 = tpu.memref_squeeze %dma_wait3A_68 : memref<1x200x64xf32, #tpu.memory_space<hbm>> -> memref<200x64xf32, #tpu.memory_space<hbm>>
    %dma_wait3A_70 = arith.constant 600 : i32
    %dma_wait3A_71 = arith.constant 0 : i32
    %dma_wait3A_72 = tpu.memref_slice %arg6[%dma_wait3A_70, %dma_wait3A_71] : memref<800x64xf32, #tpu.memory_space<vmem>> -> memref<200x64xf32, #tpu.memory_space<vmem>>
    tpu.wait_dma2 semaphore(%arg10 : memref<!tpu.dma_semaphore, #tpu.memory_space<semaphore_mem>>) src(%dma_wait3A_72 : memref<200x64xf32, #tpu.memory_space<vmem>>) dst(%dma_wait3A_69 : memref<200x64xf32, #tpu.memory_space<hbm>>)
    %dma_wait3A_73 = arith.constant 0 : i32
    %dma_wait3A_74 = arith.constant 0 : i32
    %dma_wait3A_75 = arith.constant 0 : i32
    %dma_wait3A_76 = tpu.memref_slice %arg7[%dma_wait3A_74, %dma_wait3A_75] : memref<800x64xf32, #tpu.memory_space<vmem>> -> memref<200x64xf32, #tpu.memory_space<vmem>>
    %dma_wait3A_77 = arith.constant 0 : i32
    %dma_wait3A_78 = arith.constant 0 : i32
    %dma_wait3A_79 = tpu.memref_slice %arg4[%dma_wait3A_73, %dma_wait3A_77, %dma_wait3A_78] : memref<4096x200x128xf32, #tpu.memory_space<hbm>> -> memref<1x200x64xf32, #tpu.memory_space<hbm>>
    %dma_wait3A_80 = tpu.memref_squeeze %dma_wait3A_79 : memref<1x200x64xf32, #tpu.memory_space<hbm>> -> memref<200x64xf32, #tpu.memory_space<hbm>>
    %dma_wait3A_81 = arith.constant 0 : i32
    %dma_wait3A_82 = arith.constant 0 : i32
    %dma_wait3A_83 = tpu.memref_slice %arg4[%dma_wait3A_73, %dma_wait3A_81, %dma_wait3A_82] : memref<4096x200x128xf32, #tpu.memory_space<hbm>> -> memref<1x200x64xf32, #tpu.memory_space<hbm>>
    %dma_wait3A_84 = tpu.memref_squeeze %dma_wait3A_83 : memref<1x200x64xf32, #tpu.memory_space<hbm>> -> memref<200x64xf32, #tpu.memory_space<hbm>>
    %dma_wait3A_85 = arith.constant 0 : i32
    %dma_wait3A_86 = arith.constant 0 : i32
    %dma_wait3A_87 = tpu.memref_slice %arg7[%dma_wait3A_85, %dma_wait3A_86] : memref<800x64xf32, #tpu.memory_space<vmem>> -> memref<200x64xf32, #tpu.memory_space<vmem>>
    tpu.wait_dma2 semaphore(%arg11 : memref<!tpu.dma_semaphore, #tpu.memory_space<semaphore_mem>>) src(%dma_wait3A_87 : memref<200x64xf32, #tpu.memory_space<vmem>>) dst(%dma_wait3A_84 : memref<200x64xf32, #tpu.memory_space<hbm>>)
    %dma_wait3A_88 = arith.constant 0 : i32
    %dma_wait3A_89 = arith.constant 200 : i32
    %dma_wait3A_90 = arith.constant 0 : i32
    %dma_wait3A_91 = tpu.memref_slice %arg7[%dma_wait3A_89, %dma_wait3A_90] : memref<800x64xf32, #tpu.memory_space<vmem>> -> memref<200x64xf32, #tpu.memory_space<vmem>>
    %dma_wait3A_92 = arith.constant 0 : i32
    %dma_wait3A_93 = arith.constant 0 : i32
    %dma_wait3A_94 = tpu.memref_slice %arg4[%dma_wait3A_88, %dma_wait3A_92, %dma_wait3A_93] : memref<4096x200x128xf32, #tpu.memory_space<hbm>> -> memref<1x200x64xf32, #tpu.memory_space<hbm>>
    %dma_wait3A_95 = tpu.memref_squeeze %dma_wait3A_94 : memref<1x200x64xf32, #tpu.memory_space<hbm>> -> memref<200x64xf32, #tpu.memory_space<hbm>>
    %dma_wait3A_96 = arith.constant 0 : i32
    %dma_wait3A_97 = arith.constant 0 : i32
    %dma_wait3A_98 = tpu.memref_slice %arg4[%dma_wait3A_88, %dma_wait3A_96, %dma_wait3A_97] : memref<4096x200x128xf32, #tpu.memory_space<hbm>> -> memref<1x200x64xf32, #tpu.memory_space<hbm>>
    %dma_wait3A_99 = tpu.memref_squeeze %dma_wait3A_98 : memref<1x200x64xf32, #tpu.memory_space<hbm>> -> memref<200x64xf32, #tpu.memory_space<hbm>>
    %dma_wait3A_100 = arith.constant 200 : i32
    %dma_wait3A_101 = arith.constant 0 : i32
    %dma_wait3A_102 = tpu.memref_slice %arg7[%dma_wait3A_100, %dma_wait3A_101] : memref<800x64xf32, #tpu.memory_space<vmem>> -> memref<200x64xf32, #tpu.memory_space<vmem>>
    tpu.wait_dma2 semaphore(%arg11 : memref<!tpu.dma_semaphore, #tpu.memory_space<semaphore_mem>>) src(%dma_wait3A_102 : memref<200x64xf32, #tpu.memory_space<vmem>>) dst(%dma_wait3A_99 : memref<200x64xf32, #tpu.memory_space<hbm>>)
    %dma_wait3A_103 = arith.constant 0 : i32
    %dma_wait3A_104 = arith.constant 400 : i32
    %dma_wait3A_105 = arith.constant 0 : i32
    %dma_wait3A_106 = tpu.memref_slice %arg7[%dma_wait3A_104, %dma_wait3A_105] : memref<800x64xf32, #tpu.memory_space<vmem>> -> memref<200x64xf32, #tpu.memory_space<vmem>>
    %dma_wait3A_107 = arith.constant 0 : i32
    %dma_wait3A_108 = arith.constant 0 : i32
    %dma_wait3A_109 = tpu.memref_slice %arg4[%dma_wait3A_103, %dma_wait3A_107, %dma_wait3A_108] : memref<4096x200x128xf32, #tpu.memory_space<hbm>> -> memref<1x200x64xf32, #tpu.memory_space<hbm>>
    %dma_wait3A_110 = tpu.memref_squeeze %dma_wait3A_109 : memref<1x200x64xf32, #tpu.memory_space<hbm>> -> memref<200x64xf32, #tpu.memory_space<hbm>>
    %dma_wait3A_111 = arith.constant 0 : i32
    %dma_wait3A_112 = arith.constant 0 : i32
    %dma_wait3A_113 = tpu.memref_slice %arg4[%dma_wait3A_103, %dma_wait3A_111, %dma_wait3A_112] : memref<4096x200x128xf32, #tpu.memory_space<hbm>> -> memref<1x200x64xf32, #tpu.memory_space<hbm>>
    %dma_wait3A_114 = tpu.memref_squeeze %dma_wait3A_113 : memref<1x200x64xf32, #tpu.memory_space<hbm>> -> memref<200x64xf32, #tpu.memory_space<hbm>>
    %dma_wait3A_115 = arith.constant 400 : i32
    %dma_wait3A_116 = arith.constant 0 : i32
    %dma_wait3A_117 = tpu.memref_slice %arg7[%dma_wait3A_115, %dma_wait3A_116] : memref<800x64xf32, #tpu.memory_space<vmem>> -> memref<200x64xf32, #tpu.memory_space<vmem>>
    tpu.wait_dma2 semaphore(%arg11 : memref<!tpu.dma_semaphore, #tpu.memory_space<semaphore_mem>>) src(%dma_wait3A_117 : memref<200x64xf32, #tpu.memory_space<vmem>>) dst(%dma_wait3A_114 : memref<200x64xf32, #tpu.memory_space<hbm>>)
    %dma_wait3A_118 = arith.constant 0 : i32
    %dma_wait3A_119 = arith.constant 600 : i32
    %dma_wait3A_120 = arith.constant 0 : i32
    %dma_wait3A_121 = tpu.memref_slice %arg7[%dma_wait3A_119, %dma_wait3A_120] : memref<800x64xf32, #tpu.memory_space<vmem>> -> memref<200x64xf32, #tpu.memory_space<vmem>>
    %dma_wait3A_122 = arith.constant 0 : i32
    %dma_wait3A_123 = arith.constant 0 : i32
    %dma_wait3A_124 = tpu.memref_slice %arg4[%dma_wait3A_118, %dma_wait3A_122, %dma_wait3A_123] : memref<4096x200x128xf32, #tpu.memory_space<hbm>> -> memref<1x200x64xf32, #tpu.memory_space<hbm>>
    %dma_wait3A_125 = tpu.memref_squeeze %dma_wait3A_124 : memref<1x200x64xf32, #tpu.memory_space<hbm>> -> memref<200x64xf32, #tpu.memory_space<hbm>>
    %dma_wait3A_126 = arith.constant 0 : i32
    %dma_wait3A_127 = arith.constant 0 : i32
    %dma_wait3A_128 = tpu.memref_slice %arg4[%dma_wait3A_118, %dma_wait3A_126, %dma_wait3A_127] : memref<4096x200x128xf32, #tpu.memory_space<hbm>> -> memref<1x200x64xf32, #tpu.memory_space<hbm>>
    %dma_wait3A_129 = tpu.memref_squeeze %dma_wait3A_128 : memref<1x200x64xf32, #tpu.memory_space<hbm>> -> memref<200x64xf32, #tpu.memory_space<hbm>>
    %dma_wait3A_130 = arith.constant 600 : i32
    %dma_wait3A_131 = arith.constant 0 : i32
    %dma_wait3A_132 = tpu.memref_slice %arg7[%dma_wait3A_130, %dma_wait3A_131] : memref<800x64xf32, #tpu.memory_space<vmem>> -> memref<200x64xf32, #tpu.memory_space<vmem>>
    tpu.wait_dma2 semaphore(%arg11 : memref<!tpu.dma_semaphore, #tpu.memory_space<semaphore_mem>>) src(%dma_wait3A_132 : memref<200x64xf32, #tpu.memory_space<vmem>>) dst(%dma_wait3A_129 : memref<200x64xf32, #tpu.memory_space<hbm>>)
    return
  }
}

</mosaic_0001>

<sc_bundles>
// kernel: kernel.3.cloned.1.call-start
scs
__scs_entry_jumppad:
0x0: {  	(pc) =	sbr.rel $0x88, $3  }
0x1: {  	(tag) =	ssettag $0x0;
	lr =	simm.s32 $0x1  }
0x2: {  	[smem:$0x3F9F] =	sst lr;
	_ =	strace $0xD0000000  }
0x3: {  	_ = 	snop  }
0x4: {  	_ = 	snop  }
0x5: {  	_ = 	snop  }
0x6: {  	_ = 	snop  }
0x7: {  	_ = 	snop  }
__scs_overlays_trampoline_lowered:
0x8: {  	[smem:$0x3FAE] =	sst s0  }
0x9: {  	[smem:$0x3FAF] =	sst s1  }
0xa: {  	[smem:$0x3FB0] =	sst s2  }
0xb: {  	[smem:$0x3FB1] =	sst s3  }
0xc: {  	[smem:$0x3FB2] =	sst s4  }
0xd: {  	[smem:$0x3FB3] =	sst s5  }
0xe: {  	[smem:$0x3FB4] =	sst s6  }
0xf: {  	[smem:$0x3FB5] =	sst s7  }
0x10: {  	[smem:$0x3FB6] =	sst s8  }
0x11: {  	[smem:$0x3FB7] =	sst s9;
	s0 =	simm.s32 @!p0 $0x0  }
0x12: {  	s1 =	sld [smem:$0x3F9D];
	s0 =	simm.s32 @p0 $0x1  }
0x13: {  	[smem:$0x3FB8] =	sst s0;
	s0 =	simm.s32 @!p1 $0x0  }
0x14: {  	s2 =	sld [smem:$0x3F9C];
	s0 =	simm.s32 @p1 $0x1  }
0x15: {  	[smem:$0x3FB9] =	sst s0;
	s0 =	simm.s32 @!p2 $0x0  }
0x16: {  	s3 =	sld [smem:$0x3FDB];
	s0 =	simm.s32 @p2 $0x1  }
0x17: {  	s4 =	simm.s32 $0x1BF5;
	[smem:$0x3FBB] =	sst s0  }
0x18: {  	s0 =	sld [smem:$0x3F9E];
	_ =	swait.ge [sflag:s4], $0x0  }
0x19: {  	s7 =	sld [smem:$0x3F9F]  }
0x1a: {  	s8 =	sadd.s32 $0xFFFFE003, lr  }
0x1b: {  	s9 =	sadd.s32 $0xFFFFFEF7, lr;
	s5 =	simm.s32 $0xFFFFFFFF;
	p2 =	slt.u32 s8, $0xFFFFF086  }
0x1c: {  	p1 =	slt.u32 s9, $0xF7A;
	s5 =	simm.s32 @!p2 $0x0  }
0x1d: {  	s5 =	simm.s32 @p1 $0x1;
	p0 =	seq.s32 s7, s2  }
0x1e: {  	s7 =	smul.u32 @!p0 $0xF7A, s2;
	p2 =	seq.s32 @!p0 s5, $0x0  }
0x1f: {  	s9 =	smul.u32 $0xF7A, s1;
	s8 =	simm.s32 @!p0 $0x1BF5;
	p2 =	por !p2, p0  }
0x20: {  	[sflag:s8] =	ssyncset.s32 @!p0 $0xFFFFF086;
	s6 =	sadd.s32 @!p0 s3, s7;
	s7 =	simm.s32 @!p0 $0x108  }
0x21: {  	s3 =	sadd.s32 s3, s9;
	s6 =	sadd.s32 @!p0 $0x88, s6;
	s7 =	simm.s32 @p2 $0x1082  }
0x22: {  	[simem:s7], [sflag:s8] =	dma.local @!p0 [hbm:s6], $0xF7A  }
0x23: {  	s9 =	sor.u32 $0xD0000000, s2;
	s6 =	simm.s32 $0x108;
	_ =	swait.ge @!p0 [sflag:s8], $0x0  }
0x24: {  	s3 =	sadd.s32 $0x88, s3;
	s6 =	simm.s32 @!p1 $0x1082;
	[sflag:s4] =	ssyncset.s32 $0xFFFFF086  }
0x25: {  	[simem:s6], [sflag:s4] =	dma.local [hbm:s3], $0xF7A  }
0x26: {  	[smem:$0x3F9F] =	sst s1;
	(tag) =	ssettag s2;
	_ =	strace s9  }
0x27: {  	s1 =	sld [smem:$0x3FAF]  }
0x28: {  	s2 =	sld [smem:$0x3FB0]  }
0x29: {  	s4 =	sld [smem:$0x3FB2]  }
0x2a: {  	p0 =	seq.s32 s5, $0x0;
	s5 =	sld [smem:$0x3FB3]  }
0x2b: {  	s6 =	sld [smem:$0x3FB4]  }
0x2c: {  	s7 =	sld [smem:$0x3FB5]  }
0x2d: {  	s3 =	simm.s32 $0x108;
	s8 =	sld [smem:$0x3FB6]  }
0x2e: {  	s3 =	simm.s32 @!p0 $0x1082;
	s9 =	sld [smem:$0x3FB7]  }
0x2f: {  	lr =	sadd.s32 s0, s3;
	s0 =	sld [smem:$0x3FAE]  }
0x30: {  	s3 =	sld [smem:$0x3FB1]  }
0x31: {  	[smem:$0x3FBA] =	sst s10  }
0x32: {  	s10 =	sld [smem:$0x3FB8];
	_ =	sdelay $0x3  }
0x33: {  	p0 =	seq.s32 s10, $0x1;
	s10 =	sld [smem:$0x3FBA];
	_ =	sdelay $0x3  }
0x34: {  	[smem:$0x3FBA] =	sst s10  }
0x35: {  	s10 =	sld [smem:$0x3FB9];
	_ =	sdelay $0x3  }
0x36: {  	p1 =	seq.s32 s10, $0x1;
	s10 =	sld [smem:$0x3FBA];
	_ =	sdelay $0x3  }
0x37: {  	[smem:$0x3FBA] =	sst s10  }
0x38: {  	s10 =	sld [smem:$0x3FBB]  }
0x39: {  	_ = 	snop;
	(pc) =	sbr.ind lr, $3  }
0x3a: {  	_ = 	snop  }
0x3b: {  	_ = 	snop  }
0x3c: {  	p2 =	seq.s32 s10, $0x1;
	s10 =	sld [smem:$0x3FBA]  }
0x3d: {  	_ =	shalt  }
0x3e: {  	_ =	shalt  }
0x3f: {  	_ =	shalt  }
0x40: {  	_ =	shalt  }
0x41: {  	_ =	shalt  }
0x42: {  	_ =	shalt  }
0x43: {  	_ =	shalt  }
0x44: {  	_ =	shalt  }
0x45: {  	_ =	shalt  }
0x46: {  	_ =	shalt  }
0x47: {  	_ =	shalt  }
0x48: {  	_ =	shalt  }
0x49: {  	_ =	shalt  }
0x4a: {  	_ =	shalt  }
0x4b: {  	_ =	shalt  }
0x4c: {  	_ =	shalt  }
0x4d: {  	_ =	shalt  }
0x4e: {  	_ =	shalt  }
0x4f: {  	_ =	shalt  }
0x50: {  	_ =	shalt  }
0x51: {  	_ =	shalt  }
0x52: {  	_ =	shalt  }
0x53: {  	_ =	shalt  }
0x54: {  	_ =	shalt  }
0x55: {  	_ =	shalt  }
0x56: {  	_ =	shalt  }
0x57: {  	_ =	shalt  }
0x58: {  	_ =	shalt  }
0x59: {  	_ =	shalt  }
0x5a: {  	_ =	shalt  }
0x5b: {  	_ =	shalt  }
0x5c: {  	_ =	shalt  }
0x5d: {  	_ =	shalt  }
0x5e: {  	_ =	shalt  }
0x5f: {  	_ =	shalt  }
0x60: {  	_ =	shalt  }
0x61: {  	_ =	shalt  }
0x62: {  	_ =	shalt  }
0x63: {  	_ =	shalt  }
0x64: {  	_ =	shalt  }
0x65: {  	_ =	shalt  }
0x66: {  	_ =	shalt  }
0x67: {  	_ =	shalt  }
0x68: {  	_ =	shalt  }
0x69: {  	_ =	shalt  }
0x6a: {  	_ =	shalt  }
0x6b: {  	_ =	shalt  }
0x6c: {  	_ =	shalt  }
0x6d: {  	_ =	shalt  }
0x6e: {  	_ =	shalt  }
0x6f: {  	_ =	shalt  }
0x70: {  	_ =	shalt  }
0x71: {  	_ =	shalt  }
0x72: {  	_ =	shalt  }
0x73: {  	_ =	shalt  }
0x74: {  	_ =	shalt  }
0x75: {  	_ =	shalt  }
0x76: {  	_ =	shalt  }
0x77: {  	_ =	shalt  }
0x78: {  	_ =	shalt  }
0x79: {  	_ =	shalt  }
0x7a: {  	_ =	shalt  }
0x7b: {  	_ =	shalt  }
0x7c: {  	_ =	shalt  }
0x7d: {  	_ =	shalt  }
0x7e: {  	_ =	shalt  }
0x7f: {  	_ =	shalt  }
0x80: {  	_ =	shalt  }
0x81: {  	_ =	shalt  }
0x82: {  	_ =	shalt  }
0x83: {  	_ =	shalt  }
0x84: {  	_ =	shalt  }
0x85: {  	_ =	shalt  }
0x86: {  	_ =	shalt  }
0x87: {  	_ =	shalt  }
.Lfunc_end0:
.L_simem_size_0:
called_computation.1_lowered:
.L_overlay_start_0:
0x88: {  	s2 =	sld [smem:$0x3FD9]  }
0x89: {  	s3 =	sld [smem:$0x3FFE];
	_ =	sdelay $0x1  }
0x8a: {  	s1 =	srdreg.scid  }
0x8b: {  	s0 =	sand.u32 $0x1, s1  }
0x8c: {  	s17 =	sshll.u32 s0, $0xA;
	s2 =	sadd.s32 s3, s2  }
0x8d: {  	s2 =	sadd.s32 s2, s17  }
0x8e: {  	[smem:$0x3FC6] =	sst s2  }
0x8f: {  	_ = 	snop  }
0x90: {  	s2 =	sld [smem:$0x3FD0];
	(tm) =	ssettm $0x1  }
0x91: {  	s18 =	sld [smem:$0x3FFB];
	_ =	sdelay $0x3  }
0x92: {  	_ =	strace s18  }
0x93: {  	s3 =	sld [smem:$0x3FFC];
	_ =	sdelay $0x3  }
0x94: {  	_ =	strace s3  }
0x95: {  	s3 =	sld [smem:$0x3FFD];
	_ =	sdelay $0x3  }
0x96: {  	_ =	strace s3  }
0x97: {  	_ =	strace $0x8FFFFFFF  }
0x98: {  	s19 =	sld [smem:$0x3FDB];
	_ =	sdelay $0x1  }
0x99: {  	s4 =	simm.s32 $_scs_section_size  }
0x9a: {  	s5 =	simm.s32 $_size__tile_overlayer_lowered;
	s6 =	simm.s32 $_tile_overlayer_lowered  }
0x9b: {  	s22 =	simm.s32 $0x1BFF;
	s21 =	sshll.u32 s6, $0x1;
	s3 =	sadd.s32 s4, s19  }
0x9c: {  	s7 =	simm.s32 $0x0;
	s20 =	sshll.u32 s5, $0x1;
	s5 =	sadd.s32 s21, s3  }
0x9d: {  	[timem:s7], [sflag:s22] =	dma.local [hbm:s5], s20  }
0x9e: {  	_ =	swait.ge [sflag:s22], s20  }
0x9f: {  	s4 =	ssub.s32 $0x0, s20;
	[sflag:s22] =	ssyncset.done $0x0  }
0xa0: {  	[sflag:s22] =	ssyncadd.s32 s4;
	_ =	sdelay $0x1  }
0xa1: {  	s23 =	simm.s32 $0x1B8B  }
0xa2: {  	_ =	swait.ge [sflag:s23], $0x1  }
0xa3: {  	[sflag:s23] =	ssyncset.done $0x0  }
0xa4: {  	s25 =	simm.s32 $0x1B8E;
	s24 =	sld [smem:$0x3FFE];
	[sflag:s23] =	ssyncadd.s32 $0xFFFFFFFF  }
0xa5: {  	s26 =	simm.s32 $execute0_lowered;
	[smem:$0x3FD2] =	sst s25  }
0xa6: {  	s5 =	sshll.u32 s26, $0x1;
	_ =	strace $0x80000046;
	[dreg:$0x1] =	wrdreg $0xFFFFFFFF  }
0xa7: {  	s28 =	simm.s32 $_size_execute0_lowered;
	s3 =	sadd.s32 s3, s5;
	[dreg:$0x0] =	wrdreg $0x0  }
0xa8: {  	s5 =	sshll.u32 s28, $0x1;
	[dreg:$0x2] =	wrdreg s3  }
0xa9: {  	[dreg:$0x3] =	wrdreg s5  }
0xaa: {  	[dreg:$0x4] =	wrdreg $0xC0  }
0xab: {  	_ =	task [dreg:s7], $0x5FFFF  }
0xac: {  	[dreg:$0x1] =	wrdreg $0xFFFFFFFF  }
0xad: {  	[dreg:$0x0] =	wrdreg $0x60  }
0xae: {  	[dreg:$0x2] =	wrdreg s24  }
0xaf: {  	[dreg:$0x3] =	wrdreg s2  }
0xb0: {  	[dreg:$0x4] =	wrdreg $0x9  }
0xb1: {  	_ =	task.clear_ibuf [dreg:s7], $0x5FFFF;
	_ =	strace $0x90000046  }
0xb2: {  	s29 =	simm.s32 $0x9;
	_ =	strace $0x80000048  }
0xb3: {  	_ =	swait.ge [sflag:s29], $0x1  }
0xb4: {  	[sflag:s29] =	ssyncadd.s32 $0xFFFFFFFF  }
0xb5: {  	_ =	strace $0x90000048  }
0xb6: {  	_ =	sfence  }
0xb7: {  	s30 =	sld [smem:$0x0];
	_ =	sdelay $0x2  }
0xb8: {  	s31 =	sshll.u32 s1, $0xD;
	s1 =	sshrl.u32 s1, $0x2  }
0xb9: {  	s3 =	sand.u32 $0x4000, s31;
	s1 =	sadd.s32 s1, s30  }
0xba: {  	s0 =	sor.u32 s3, s0;
	s1 =	sshll.u32 s1, $0x11  }
0xbb: {  	s0 =	sor.u32 s1, s0  }
0xbc: {  	s0 =	sadd.s32 $0x8F2B, s0  }
0xbd: {  	[sflag:s0] =	ssyncadd.remote.s32 $0x1  }
0xbe: {  	_ =	sfence.sel $0xFFFF  }
0xbf: {  	[dreg:$0x0] =	wrdreg $0xFFFFFFFF;
	(pc) =	sbr.abs _section_cstart, $3  }
0xc0: {  	[dreg:$0x1] =	wrdreg $0xFFFFFFFF  }
0xc1: {  	_ =	task.clear_ibuf [dreg:s7], $0x2FFFF;
	_ =	strace $0x9FFFFFFF  }
0xc2: {  	(tm) =	ssettm $0x7FFFFFFF  }
0xc3: {  	_ =	shalt  }
tec
execute0_lowered:
.L_overlay_start_1:
0x0: {  	(tag) =	ssettag $0x1  }
0x1: {  	s4 =	rddreg [dreg:$0x0]  }
0x2: {  	s5 =	rddreg [dreg:$0x1];
	s3 =	srdreg.scid  }
0x3: {  	s1 =	stileid.u32;
	s2 =	simm.s32 $0x0;
	s13 =	simm.s32 $0x4  }
0x4: {  	s14 =	simm.s32 $0x0;
	s7 =	sand.u32 $0x1, s3;
	s6 =	smul.u32 $0x640000, s1  }
0x5: {  	[smem:$0x7FF] =	sst s2;
	s3 =	sadd.s32 $0xF42E00, s4;
	s29 =	smul.u32 $0xC8000, s1  }
0x6: {  	s9 =	sshll.u32 s1, $0x1;
	s12 =	sadd.s32 $0xA00, s4;
	s8 =	smul.u32 $0x320000, s7  }
0x7: {  	s10 =	ssub.s32 $0x2, s7;
	s9 =	sor.u32 s7, s9;
	s30 =	smul.u32 $0x64000, s7  }
0x8: {  	_ =	strace $0x80000047;
	s25 =	sshrl.u32 s10, $0x1;
	s9 =	smul.u32 $0xC80, s9  }
0x9: {  	s31 =	sadd.s32 s29, s12;
	s8 =	sadd.s32 s8, s6;
	s6 =	ssub.s32 s10, s25  }
0xa: {  	s10 =	simm.s32 $0x5;
	s11 =	sor.u32 $0x12C00, s8;
	s4 =	sadd.s32 s5, s9  }
0xb: {  	s5 =	smax.u32 s6, $0x1;
	s28 =	sor.u32 $0xC800, s8;
	s8 =	sor.u32 $0x6400, s8  }
0xc: {  	s26 =	sshrl.u32 s11, $0x3;
	s9 =	sshrl.u32 s28, $0x3;
	s8 =	sshrl.u32 s8, $0x3  }
0xd: {  	s11 =	simm.s32 $0x6400;
	s6 =	sadd.s32 s26, s12;
	s7 =	sadd.s32 s9, s12  }
0xe: {  	s8 =	sadd.s32 s8, s12;
	s9 =	sadd.s32 s30, s31;
	s12 =	simm.s32 $0x3  }
.LBB2_1:
0xf: {  	[tilespmem:s2], [sflag:$0x5] =	stream.linear.gather [hbm4b:s4+s2], $0x6400, $0x38;
	[tilespmem:$0x1F400] =	vst v63  }
0x10: {  	s15 =	sand.u32 $0x1, s2  }
0x11: {  	_ =	swait.ge [sflag:s10], $0x6400;
	p1 =	seq.s32 s15, $0x1  }
0x12: {  	[sflag:s10] =	ssyncset.done $0x0;
	p0 =	por @p1 $0x0, $0x0  }
0x13: {  	s16 =	simm.s32 $0x320;
	[sflag:s10] =	ssyncadd.s32 $0xFFFF9C00;
	p2 =	por p0, !p1  }
0x14: {  	[tilespmem:s11], [sflag:$0x1] =	stream.indirect.gather [hbm4b:s3+s16], $0x40, s2, s16, $0xb8;
	[tilespmem:$0x1F400] =	vst v63  }
0x15: {  	s15 =	simm.s32 @!p2 $0x3  }
0x16: {  	_ =	swait.ge @!p2 [sflag:s15], $0x3200  }
0x17: {  	[sflag:s15] =	ssyncset.done @!p2 $0x0  }
0x18: {  	[sflag:s15] =	ssyncadd.s32 @!p2 $0xFFFFCE00  }
0x19: {  	_ =	swait.ge @!p2 [sflag:s15], $0x3200  }
0x1a: {  	[sflag:s15] =	ssyncset.done @!p2 $0x0  }
0x1b: {  	[sflag:s15] =	ssyncadd.s32 @!p2 $0xFFFFCE00  }
0x1c: {  	_ =	swait.ge @!p2 [sflag:s15], $0x3200  }
0x1d: {  	[sflag:s15] =	ssyncset.done @!p2 $0x0  }
0x1e: {  	[sflag:s15] =	ssyncadd.s32 @!p2 $0xFFFFCE00  }
0x1f: {  	p0 =	por p1, p1;
	_ =	swait.ge @!p2 [sflag:s15], $0x3200  }
0x20: {  	s17 =	simm.s32 @p0 $0x2;
	[sflag:s15] =	ssyncset.done @!p2 $0x0  }
0x21: {  	s18 =	simm.s32 @!p2 $0x6400;
	[sflag:s15] =	ssyncadd.s32 @!p2 $0xFFFFCE00;
	s15 =	simm.s32 @!p2 $0x320  }
0x22: {  	[tilespmem:s18], [sflag:$0x1] =	stream.indirect.gather @!p2 [hbm4b:s3+s15], $0x40, s16, s15, $0xb8;
	[tilespmem:$0x1F400] =	vst v63  }
0x23: {  	_ =	swait.ge @p0 [sflag:s17], $0xC800  }
0x24: {  	s19 =	simm.s32 @p0 $0x40;
	s15 =	simm.s32 @p0 $0x80;
	[sflag:s17] =	ssyncset.done @p0 $0x0  }
0x25: {  	s18 =	simm.s32 @p0 $0x12C00;
	[sflag:s17] =	ssyncadd.s32 @p0 $0xFFFF3800;
	s17 =	sadd.s32 @p0 $0x0, s9  }
0x26: {  	[hbm4b:s17+s19] =	stream.strided.scatter @p0 [tilespmem:s18], [sflag:$0x4], $0x3200, s15, s19, $0x38;
	[tilespmem:$0x1F400] =	vst v63  }
0x27: {  	p2 =	por @!p1 $0x1, $0x1;
	s17 =	sadd.s32 @p0 $0x0, s8;
	s18 =	simm.s32 @p0 $0x15E00  }
0x28: {  	[hbm4b:s17+s19] =	stream.strided.scatter @p0 [tilespmem:s18], [sflag:$0x4], $0x3200, s15, s19, $0x38;
	[tilespmem:$0x1F400] =	vst v63  }
0x29: {  	p2 =	por p2, p0;
	s17 =	sadd.s32 @p0 $0x0, s7;
	s18 =	simm.s32 @p0 $0x19000  }
0x2a: {  	[hbm4b:s17+s19] =	stream.strided.scatter @p0 [tilespmem:s18], [sflag:$0x4], $0x3200, s15, s19, $0x38;
	[tilespmem:$0x1F400] =	vst v63  }
0x2b: {  	s20 =	simm.s32 @!p2 $0x4;
	s17 =	sadd.s32 @p0 $0x0, s6;
	s18 =	simm.s32 @p0 $0x1C200  }
0x2c: {  	[hbm4b:s17+s19] =	stream.strided.scatter @p0 [tilespmem:s18], [sflag:$0x4], $0x3200, s15, s19, $0x38;
	[tilespmem:$0x1F400] =	vst v63  }
0x2d: {  	_ =	swait.ge @!p2 [sflag:s20], $0x3200  }
0x2e: {  	[sflag:s20] =	ssyncset.done @!p2 $0x0  }
0x2f: {  	[sflag:s20] =	ssyncadd.s32 @!p2 $0xFFFFCE00  }
0x30: {  	_ =	swait.ge @!p2 [sflag:s20], $0x3200  }
0x31: {  	[sflag:s20] =	ssyncset.done @!p2 $0x0  }
0x32: {  	[sflag:s20] =	ssyncadd.s32 @!p2 $0xFFFFCE00  }
0x33: {  	_ =	swait.ge @!p2 [sflag:s20], $0x3200  }
0x34: {  	[sflag:s20] =	ssyncset.done @!p2 $0x0  }
0x35: {  	s31 =	simm.s32 $0x1;
	[sflag:s20] =	ssyncadd.s32 @!p2 $0xFFFFCE00  }
0x36: {  	s21 =	simm.s32 @!p0 $0x1;
	s22 =	simm.s32 @!p0 $0x12C00;
	_ =	swait.ge @!p2 [sflag:s20], $0x3200  }
0x37: {  	s26 =	simm.s32 @!p0 $0x80;
	s28 =	simm.s32 @!p0 $0x40;
	[sflag:s20] =	ssyncset.done @!p2 $0x0  }
0x38: {  	s23 =	sadd.s32 @!p0 $0x0, s7;
	[sflag:s20] =	ssyncadd.s32 @!p2 $0xFFFFCE00;
	s20 =	simm.s32 @!p0 $0x320  }
0x39: {  	[tilespmem:s22], [sflag:$0x2] =	stream.indirect.gather @!p0 [hbm4b:s3+s20], $0x40, s16, s20, $0xb8;
	[tilespmem:$0x1F400] =	vst v63  }
0x3a: {  	s17 =	simm.s32 $0x3200;
	s15 =	simm.s32 $0x6400;
	_ =	swait.ge @!p0 [sflag:s21], $0xC800  }
0x3b: {  	s18 =	simm.s32 $0x640;
	s19 =	sand.u32 $0x1, s31;
	[sflag:s21] =	ssyncset.done @!p0 $0x0  }
0x3c: {  	s16 =	simm.s32 @!p0 $0x6400;
	[sflag:s21] =	ssyncadd.s32 @!p0 $0xFFFF3800;
	s21 =	sadd.s32 @!p0 $0x0, s9  }
0x3d: {  	[hbm4b:s21+s28] =	stream.strided.scatter @!p0 [tilespmem:s16], [sflag:$0x3], $0x3200, s26, s28, $0x38;
	[tilespmem:$0x1F400] =	vst v63  }
0x3e: {  	p2 =	seq.s32 s19, $0x1;
	s22 =	sadd.s32 @!p0 $0x0, s8;
	s16 =	simm.s32 @!p0 $0x9600  }
0x3f: {  	[hbm4b:s22+s28] =	stream.strided.scatter @!p0 [tilespmem:s16], [sflag:$0x3], $0x3200, s26, s28, $0x38;
	[tilespmem:$0x1F400] =	vst v63  }
0x40: {  	s20 =	sadd.s32 @!p1 $0x0, s6;
	p4 =	por @p2 $0x0, $0x0;
	s16 =	simm.s32 @!p0 $0xC800  }
0x41: {  	[hbm4b:s23+s28] =	stream.strided.scatter @!p0 [tilespmem:s16], [sflag:$0x3], $0x3200, s26, s28, $0x38;
	[tilespmem:$0x1F400] =	vst v63  }
0x42: {  	p3 =	por @!p2 $0x0, $0x0;
	s21 =	simm.s32 @!p1 $0xFA00;
	s23 =	simm.s32 $0x2  }
0x43: {  	s22 =	simm.s32 $0x9600;
	s16 =	simm.s32 $0x960;
	s19 =	sand.u32 $0x1, s23  }
.LBB2_2:
0x44: {  	p4 =	por p4, !p2;
	s29 =	sadd.s32 @!p2 s17, s6;
	s30 =	simm.s32 @!p2 $0xFA00  }
0x45: {  	s24 =	smov.u32 s17;
	s17 =	smov.u32 s15;
	s15 =	smov.u32 s22  }
0x46: {  	s22 =	sadd.s32 $0x3200, s22;
	s25 =	smov.u32 s18;
	s31 =	simm.s32 @!p4 $0x3  }
0x47: {  	[hbm4b:s20+s28] =	stream.strided.scatter @!p0 [tilespmem:s21], [sflag:$0x3], $0x3200, s26, s28, $0x38;
	[tilespmem:$0x1F400] =	vst v63  }
0x48: {  	p1 =	sne.s32 s22, $0x64000;
	s20 =	smov.u32 s29;
	_ =	swait.ge @!p4 [sflag:s31], $0x3200  }
0x49: {  	s18 =	smov.u32 s16;
	s21 =	smov.u32 s30;
	[sflag:s31] =	ssyncset.done @!p4 $0x0  }
0x4a: {  	p0 =	por p2, p2;
	[sflag:s31] =	ssyncadd.s32 @!p4 $0xFFFFCE00  }
0x4b: {  	_ =	swait.ge @!p4 [sflag:s31], $0x3200  }
0x4c: {  	[sflag:s31] =	ssyncset.done @!p4 $0x0  }
0x4d: {  	[sflag:s31] =	ssyncadd.s32 @!p4 $0xFFFFCE00  }
0x4e: {  	_ =	swait.ge @!p4 [sflag:s31], $0x3200  }
0x4f: {  	[sflag:s31] =	ssyncset.done @!p4 $0x0  }
0x50: {  	[sflag:s31] =	ssyncadd.s32 @!p4 $0xFFFFCE00  }
0x51: {  	_ =	swait.ge @!p4 [sflag:s31], $0x3200  }
0x52: {  	s26 =	simm.s32 @p0 $0x2;
	[sflag:s31] =	ssyncset.done @!p4 $0x0  }
0x53: {  	s28 =	simm.s32 @!p4 $0x320;
	s29 =	simm.s32 @!p4 $0x6400;
	[sflag:s31] =	ssyncadd.s32 @!p4 $0xFFFFCE00  }
0x54: {  	[tilespmem:s29], [sflag:$0x1] =	stream.indirect.gather @!p4 [hbm4b:s3+s28], $0x40, s25, s28, $0xb8;
	[tilespmem:$0x1F400] =	vst v63  }
0x55: {  	_ =	swait.ge @p0 [sflag:s26], $0xC800  }
0x56: {  	s28 =	simm.s32 @p0 $0x80;
	s29 =	simm.s32 @p0 $0x12C00;
	[sflag:s26] =	ssyncset.done @p0 $0x0  }
0x57: {  	s30 =	simm.s32 @p0 $0x40;
	[sflag:s26] =	ssyncadd.s32 @p0 $0xFFFF3800;
	s26 =	sadd.s32 @p0 s24, s9  }
0x58: {  	[hbm4b:s26+s30] =	stream.strided.scatter @p0 [tilespmem:s29], [sflag:$0x4], $0x3200, s28, s30, $0x38;
	[tilespmem:$0x1F400] =	vst v63  }
0x59: {  	s26 =	sadd.s32 @p0 s24, s8;
	s29 =	simm.s32 @p0 $0x15E00  }
0x5a: {  	[hbm4b:s26+s30] =	stream.strided.scatter @p0 [tilespmem:s29], [sflag:$0x4], $0x3200, s28, s30, $0x38;
	[tilespmem:$0x1F400] =	vst v63  }
0x5b: {  	p2 =	por p3, p0;
	s26 =	sadd.s32 @p0 s24, s7;
	s29 =	simm.s32 @p0 $0x19000  }
0x5c: {  	[hbm4b:s26+s30] =	stream.strided.scatter @p0 [tilespmem:s29], [sflag:$0x4], $0x3200, s28, s30, $0x38;
	[tilespmem:$0x1F400] =	vst v63  }
0x5d: {  	s31 =	simm.s32 @!p2 $0x4;
	s26 =	sadd.s32 @p0 s24, s6;
	s29 =	simm.s32 @p0 $0x1C200  }
0x5e: {  	[hbm4b:s26+s30] =	stream.strided.scatter @p0 [tilespmem:s29], [sflag:$0x4], $0x3200, s28, s30, $0x38;
	[tilespmem:$0x1F400] =	vst v63  }
0x5f: {  	_ =	swait.ge @!p2 [sflag:s31], $0x3200  }
0x60: {  	[sflag:s31] =	ssyncset.done @!p2 $0x0  }
0x61: {  	[sflag:s31] =	ssyncadd.s32 @!p2 $0xFFFFCE00  }
0x62: {  	_ =	swait.ge @!p2 [sflag:s31], $0x3200  }
0x63: {  	[sflag:s31] =	ssyncset.done @!p2 $0x0  }
0x64: {  	[sflag:s31] =	ssyncadd.s32 @!p2 $0xFFFFCE00  }
0x65: {  	_ =	swait.ge @!p2 [sflag:s31], $0x3200  }
0x66: {  	[sflag:s31] =	ssyncset.done @!p2 $0x0  }
0x67: {  	[sflag:s31] =	ssyncadd.s32 @!p2 $0xFFFFCE00  }
0x68: {  	s16 =	sadd.s32 $0x320, s16;
	_ =	swait.ge @!p2 [sflag:s31], $0x3200  }
0x69: {  	s28 =	simm.s32 @!p0 $0x1;
	s29 =	simm.s32 @!p0 $0xC800;
	[sflag:s31] =	ssyncset.done @!p2 $0x0  }
0x6a: {  	s26 =	simm.s32 @!p0 $0x320;
	s30 =	simm.s32 @!p0 $0x12C00;
	[sflag:s31] =	ssyncadd.s32 @!p2 $0xFFFFCE00  }
0x6b: {  	[tilespmem:s30], [sflag:$0x2] =	stream.indirect.gather @!p0 [hbm4b:s3+s26], $0x40, s25, s26, $0xb8;
	[tilespmem:$0x1F400] =	vst v63  }
0x6c: {  	s25 =	simm.s32 @!p0 $0x9600;
	s30 =	sadd.s32 @!p0 s24, s7;
	_ =	swait.ge @!p0 [sflag:s28], $0xC800  }
0x6d: {  	s31 =	simm.s32 @!p0 $0x6400;
	s26 =	simm.s32 @!p0 $0x80;
	[sflag:s28] =	ssyncset.done @!p0 $0x0  }
0x6e: {  	s0 =	sadd.s32 @!p0 s24, s9;
	[sflag:s28] =	ssyncadd.s32 @!p0 $0xFFFF3800;
	s28 =	simm.s32 @!p0 $0x40  }
0x6f: {  	[hbm4b:s0+s28] =	stream.strided.scatter @!p0 [tilespmem:s31], [sflag:$0x3], $0x3200, s26, s28, $0x38;
	[tilespmem:$0x1F400] =	vst v63  }
.Ltmp0:
0x70: {  	_ = 	snop;
	(pc) =	sbr.rel @p1 .LBB2_2-.Ltmp0, $4  }
0x71: {  	s23 =	sadd.s32 $0x1, s23;
	p2 =	seq.s32 s19, $0x1;
	s0 =	sadd.s32 @!p0 s24, s8  }
0x72: {  	[hbm4b:s0+s28] =	stream.strided.scatter @!p0 [tilespmem:s25], [sflag:$0x3], $0x3200, s26, s28, $0x38;
	[tilespmem:$0x1F400] =	vst v63  }
0x73: {  	s19 =	sand.u32 $0x1, s23;
	p4 =	seq.s32 @p2 s17, $0x60E00;
	p3 =	seq.s32 @!p2 s17, $0x0  }
0x74: {  	[hbm4b:s30+s28] =	stream.strided.scatter @!p0 [tilespmem:s29], [sflag:$0x3], $0x3200, s26, s28, $0x38;
	[tilespmem:$0x1F400] =	vst v63  }
0x75: {  	p4 =	por p4, !p2  }
0x76: {  	[hbm4b:s20+s28] =	stream.strided.scatter @!p0 [tilespmem:s21], [sflag:$0x3], $0x3200, s26, s28, $0x38;
	[tilespmem:$0x1F400] =	vst v63  }
0x77: {  	s0 =	simm.s32 @!p4 $0x3  }
0x78: {  	_ =	swait.ge @!p4 [sflag:s0], $0x3200  }
0x79: {  	[sflag:s0] =	ssyncset.done @!p4 $0x0  }
0x7a: {  	[sflag:s0] =	ssyncadd.s32 @!p4 $0xFFFFCE00  }
0x7b: {  	_ =	swait.ge @!p4 [sflag:s0], $0x3200  }
0x7c: {  	[sflag:s0] =	ssyncset.done @!p4 $0x0  }
0x7d: {  	[sflag:s0] =	ssyncadd.s32 @!p4 $0xFFFFCE00  }
0x7e: {  	_ =	swait.ge @!p4 [sflag:s0], $0x3200  }
0x7f: {  	[sflag:s0] =	ssyncset.done @!p4 $0x0  }
0x80: {  	[sflag:s0] =	ssyncadd.s32 @!p4 $0xFFFFCE00  }
0x81: {  	p1 =	por p2, p2;
	_ =	swait.ge @!p4 [sflag:s0], $0x3200  }
0x82: {  	s20 =	simm.s32 @p1 $0x2;
	[sflag:s0] =	ssyncset.done @!p4 $0x0  }
0x83: {  	s21 =	simm.s32 @!p4 $0x6400;
	[sflag:s0] =	ssyncadd.s32 @!p4 $0xFFFFCE00;
	s0 =	simm.s32 @!p4 $0x320  }
0x84: {  	[tilespmem:s21], [sflag:$0x1] =	stream.indirect.gather @!p4 [hbm4b:s3+s0], $0x40, s18, s0, $0xb8;
	[tilespmem:$0x1F400] =	vst v63  }
0x85: {  	_ =	swait.ge @p1 [sflag:s20], $0xC800  }
0x86: {  	s22 =	simm.s32 @p1 $0x40;
	s0 =	simm.s32 @p1 $0x80;
	[sflag:s20] =	ssyncset.done @p1 $0x0  }
0x87: {  	s21 =	simm.s32 @p1 $0x12C00;
	[sflag:s20] =	ssyncadd.s32 @p1 $0xFFFF3800;
	s20 =	sadd.s32 @p1 s17, s9  }
0x88: {  	[hbm4b:s20+s22] =	stream.strided.scatter @p1 [tilespmem:s21], [sflag:$0x4], $0x3200, s0, s22, $0x38;
	[tilespmem:$0x1F400] =	vst v63  }
0x89: {  	s20 =	sadd.s32 @p1 s17, s8;
	s21 =	simm.s32 @p1 $0x15E00  }
0x8a: {  	[hbm4b:s20+s22] =	stream.strided.scatter @p1 [tilespmem:s21], [sflag:$0x4], $0x3200, s0, s22, $0x38;
	[tilespmem:$0x1F400] =	vst v63  }
0x8b: {  	p0 =	por p3, p1;
	s20 =	sadd.s32 @p1 s17, s7;
	s21 =	simm.s32 @p1 $0x19000  }
0x8c: {  	[hbm4b:s20+s22] =	stream.strided.scatter @p1 [tilespmem:s21], [sflag:$0x4], $0x3200, s0, s22, $0x38;
	[tilespmem:$0x1F400] =	vst v63  }
0x8d: {  	s23 =	simm.s32 @!p0 $0x4;
	s20 =	sadd.s32 @p1 s17, s6;
	s21 =	simm.s32 @p1 $0x1C200  }
0x8e: {  	[hbm4b:s20+s22] =	stream.strided.scatter @p1 [tilespmem:s21], [sflag:$0x4], $0x3200, s0, s22, $0x38;
	[tilespmem:$0x1F400] =	vst v63  }
0x8f: {  	_ =	swait.ge @!p0 [sflag:s23], $0x3200  }
0x90: {  	[sflag:s23] =	ssyncset.done @!p0 $0x0  }
0x91: {  	[sflag:s23] =	ssyncadd.s32 @!p0 $0xFFFFCE00  }
0x92: {  	_ =	swait.ge @!p0 [sflag:s23], $0x3200  }
0x93: {  	[sflag:s23] =	ssyncset.done @!p0 $0x0  }
0x94: {  	[sflag:s23] =	ssyncadd.s32 @!p0 $0xFFFFCE00  }
0x95: {  	_ =	swait.ge @!p0 [sflag:s23], $0x3200  }
0x96: {  	[sflag:s23] =	ssyncset.done @!p0 $0x0  }
0x97: {  	[sflag:s23] =	ssyncadd.s32 @!p0 $0xFFFFCE00  }
0x98: {  	_ =	swait.ge @!p0 [sflag:s23], $0x3200  }
0x99: {  	s0 =	simm.s32 @!p1 $0x1;
	[sflag:s23] =	ssyncset.done @!p0 $0x0  }
0x9a: {  	s20 =	simm.s32 @!p1 $0x320;
	s21 =	simm.s32 @!p1 $0x12C00;
	[sflag:s23] =	ssyncadd.s32 @!p0 $0xFFFFCE00  }
0x9b: {  	[tilespmem:s21], [sflag:$0x2] =	stream.indirect.gather @!p1 [hbm4b:s3+s20], $0x40, s18, s20, $0xb8;
	[tilespmem:$0x1F400] =	vst v63  }
0x9c: {  	p0 =	seq.s32 s19, $0x1;
	_ =	swait.ge @!p1 [sflag:s0], $0xC800  }
0x9d: {  	s18 =	simm.s32 @!p1 $0x80;
	s20 =	simm.s32 @!p1 $0x6400;
	[sflag:s0] =	ssyncset.done @!p1 $0x0  }
0x9e: {  	s21 =	simm.s32 @!p1 $0x40;
	[sflag:s0] =	ssyncadd.s32 @!p1 $0xFFFF3800;
	s0 =	sadd.s32 @!p1 s17, s9  }
0x9f: {  	[hbm4b:s0+s21] =	stream.strided.scatter @!p1 [tilespmem:s20], [sflag:$0x3], $0x3200, s18, s21, $0x38;
	[tilespmem:$0x1F400] =	vst v63  }
0xa0: {  	s19 =	sadd.s32 @!p1 s17, s8;
	p3 =	seq.s32 @p0 s15, $0x60E00;
	s0 =	simm.s32 @!p1 $0x9600  }
0xa1: {  	[hbm4b:s19+s21] =	stream.strided.scatter @!p1 [tilespmem:s0], [sflag:$0x3], $0x3200, s18, s21, $0x38;
	[tilespmem:$0x1F400] =	vst v63  }
0xa2: {  	p3 =	por p3, !p0;
	s0 =	simm.s32 @!p1 $0xC800;
	s19 =	sadd.s32 @!p1 s17, s7  }
0xa3: {  	[hbm4b:s19+s21] =	stream.strided.scatter @!p1 [tilespmem:s0], [sflag:$0x3], $0x3200, s18, s21, $0x38;
	[tilespmem:$0x1F400] =	vst v63  }
0xa4: {  	s0 =	sadd.s32 @!p2 s17, s6;
	s17 =	simm.s32 @!p2 $0xFA00;
	s19 =	simm.s32 @!p3 $0x3  }
0xa5: {  	[hbm4b:s0+s21] =	stream.strided.scatter @!p1 [tilespmem:s17], [sflag:$0x3], $0x3200, s18, s21, $0x38;
	[tilespmem:$0x1F400] =	vst v63  }
0xa6: {  	_ =	swait.ge @!p3 [sflag:s19], $0x3200  }
0xa7: {  	[sflag:s19] =	ssyncset.done @!p3 $0x0  }
0xa8: {  	[sflag:s19] =	ssyncadd.s32 @!p3 $0xFFFFCE00  }
0xa9: {  	_ =	swait.ge @!p3 [sflag:s19], $0x3200  }
0xaa: {  	[sflag:s19] =	ssyncset.done @!p3 $0x0  }
0xab: {  	[sflag:s19] =	ssyncadd.s32 @!p3 $0xFFFFCE00  }
0xac: {  	_ =	swait.ge @!p3 [sflag:s19], $0x3200  }
0xad: {  	[sflag:s19] =	ssyncset.done @!p3 $0x0  }
0xae: {  	[sflag:s19] =	ssyncadd.s32 @!p3 $0xFFFFCE00  }
0xaf: {  	_ =	swait.ge @!p3 [sflag:s19], $0x3200  }
0xb0: {  	p1 =	por p0, p0;
	s17 =	simm.s32 @!p3 $0x320;
	[sflag:s19] =	ssyncset.done @!p3 $0x0  }
0xb1: {  	s18 =	simm.s32 @!p3 $0x6400;
	s0 =	simm.s32 @p1 $0x2;
	[sflag:s19] =	ssyncadd.s32 @!p3 $0xFFFFCE00  }
0xb2: {  	[tilespmem:s18], [sflag:$0x1] =	stream.indirect.gather @!p3 [hbm4b:s3+s17], $0x40, s16, s17, $0xb8;
	[tilespmem:$0x1F400] =	vst v63  }
0xb3: {  	_ =	swait.ge @p1 [sflag:s0], $0xC800  }
0xb4: {  	s19 =	simm.s32 @p1 $0x40;
	s17 =	simm.s32 @p1 $0x80;
	[sflag:s0] =	ssyncset.done @p1 $0x0  }
0xb5: {  	s18 =	simm.s32 @p1 $0x12C00;
	[sflag:s0] =	ssyncadd.s32 @p1 $0xFFFF3800;
	s0 =	sadd.s32 @p1 s15, s9  }
0xb6: {  	[hbm4b:s0+s19] =	stream.strided.scatter @p1 [tilespmem:s18], [sflag:$0x4], $0x3200, s17, s19, $0x38;
	[tilespmem:$0x1F400] =	vst v63  }
0xb7: {  	p2 =	seq.s32 @!p0 s15, $0x0;
	s0 =	sadd.s32 @p1 s15, s8;
	s18 =	simm.s32 @p1 $0x15E00  }
0xb8: {  	[hbm4b:s0+s19] =	stream.strided.scatter @p1 [tilespmem:s18], [sflag:$0x4], $0x3200, s17, s19, $0x38;
	[tilespmem:$0x1F400] =	vst v63  }
0xb9: {  	p2 =	por p2, p1;
	s0 =	sadd.s32 @p1 s15, s7;
	s18 =	simm.s32 @p1 $0x19000  }
0xba: {  	[hbm4b:s0+s19] =	stream.strided.scatter @p1 [tilespmem:s18], [sflag:$0x4], $0x3200, s17, s19, $0x38;
	[tilespmem:$0x1F400] =	vst v63  }
0xbb: {  	s20 =	simm.s32 @!p2 $0x4;
	s0 =	sadd.s32 @p1 s15, s6;
	s18 =	simm.s32 @p1 $0x1C200  }
0xbc: {  	[hbm4b:s0+s19] =	stream.strided.scatter @p1 [tilespmem:s18], [sflag:$0x4], $0x3200, s17, s19, $0x38;
	[tilespmem:$0x1F400] =	vst v63  }
0xbd: {  	_ =	swait.ge @!p2 [sflag:s20], $0x3200  }
0xbe: {  	[sflag:s20] =	ssyncset.done @!p2 $0x0  }
0xbf: {  	[sflag:s20] =	ssyncadd.s32 @!p2 $0xFFFFCE00  }
0xc0: {  	_ =	swait.ge @!p2 [sflag:s20], $0x3200  }
0xc1: {  	[sflag:s20] =	ssyncset.done @!p2 $0x0  }
0xc2: {  	[sflag:s20] =	ssyncadd.s32 @!p2 $0xFFFFCE00  }
0xc3: {  	_ =	swait.ge @!p2 [sflag:s20], $0x3200  }
0xc4: {  	[sflag:s20] =	ssyncset.done @!p2 $0x0  }
0xc5: {  	[sflag:s20] =	ssyncadd.s32 @!p2 $0xFFFFCE00  }
0xc6: {  	_ =	swait.ge @!p2 [sflag:s20], $0x3200  }
0xc7: {  	s0 =	simm.s32 @!p1 $0x1;
	[sflag:s20] =	ssyncset.done @!p2 $0x0  }
0xc8: {  	s17 =	simm.s32 @!p1 $0x320;
	s18 =	simm.s32 @!p1 $0x12C00;
	[sflag:s20] =	ssyncadd.s32 @!p2 $0xFFFFCE00  }
0xc9: {  	[tilespmem:s18], [sflag:$0x2] =	stream.indirect.gather @!p1 [hbm4b:s3+s17], $0x40, s16, s17, $0xb8;
	[tilespmem:$0x1F400] =	vst v63  }
0xca: {  	_ =	swait.ge @!p1 [sflag:s0], $0xC800  }
0xcb: {  	s16 =	simm.s32 @!p1 $0x80;
	s17 =	simm.s32 @!p1 $0x6400;
	[sflag:s0] =	ssyncset.done @!p1 $0x0  }
0xcc: {  	s18 =	simm.s32 @!p1 $0x40;
	[sflag:s0] =	ssyncadd.s32 @!p1 $0xFFFF3800;
	s0 =	sadd.s32 @!p1 s15, s9  }
0xcd: {  	[hbm4b:s0+s18] =	stream.strided.scatter @!p1 [tilespmem:s17], [sflag:$0x3], $0x3200, s16, s18, $0x38;
	[tilespmem:$0x1F400] =	vst v63  }
0xce: {  	s0 =	simm.s32 @!p1 $0x9600;
	s17 =	sadd.s32 @!p1 s15, s8  }
0xcf: {  	[hbm4b:s17+s18] =	stream.strided.scatter @!p1 [tilespmem:s0], [sflag:$0x3], $0x3200, s16, s18, $0x38;
	[tilespmem:$0x1F400] =	vst v63  }
0xd0: {  	s0 =	simm.s32 @!p1 $0xC800;
	s17 =	sadd.s32 @!p1 s15, s7  }
0xd1: {  	[hbm4b:s17+s18] =	stream.strided.scatter @!p1 [tilespmem:s0], [sflag:$0x3], $0x3200, s16, s18, $0x38;
	[tilespmem:$0x1F400] =	vst v63  }
0xd2: {  	s0 =	sadd.s32 @!p0 s15, s6;
	s15 =	simm.s32 @!p0 $0xFA00  }
0xd3: {  	[hbm4b:s0+s18] =	stream.strided.scatter @!p1 [tilespmem:s15], [sflag:$0x3], $0x3200, s16, s18, $0x38;
	[tilespmem:$0x1F400] =	vst v63  }
0xd4: {  	_ =	swait.ge [sflag:s12], $0x3200  }
0xd5: {  	[sflag:s12] =	ssyncset.done $0x0  }
0xd6: {  	[sflag:s12] =	ssyncadd.s32 $0xFFFFCE00  }
0xd7: {  	_ =	swait.ge [sflag:s12], $0x3200  }
0xd8: {  	[sflag:s12] =	ssyncset.done $0x0  }
0xd9: {  	[sflag:s12] =	ssyncadd.s32 $0xFFFFCE00  }
0xda: {  	_ =	swait.ge [sflag:s12], $0x3200  }
0xdb: {  	[sflag:s12] =	ssyncset.done $0x0  }
0xdc: {  	[sflag:s12] =	ssyncadd.s32 $0xFFFFCE00  }
0xdd: {  	_ =	swait.ge [sflag:s12], $0x3200  }
0xde: {  	[sflag:s12] =	ssyncset.done $0x0  }
0xdf: {  	[sflag:s12] =	ssyncadd.s32 $0xFFFFCE00  }
0xe0: {  	_ =	swait.ge [sflag:s13], $0x3200  }
0xe1: {  	[sflag:s13] =	ssyncset.done $0x0  }
0xe2: {  	[sflag:s13] =	ssyncadd.s32 $0xFFFFCE00  }
0xe3: {  	_ =	swait.ge [sflag:s13], $0x3200  }
0xe4: {  	[sflag:s13] =	ssyncset.done $0x0  }
0xe5: {  	s14 =	sadd.s32 $0x1, s14;
	[sflag:s13] =	ssyncadd.s32 $0xFFFFCE00  }
0xe6: {  	p0 =	sne.s32 s14, s5;
	_ =	swait.ge [sflag:s13], $0x3200  }
.Ltmp1:
0xe7: {  	[sflag:s13] =	ssyncset.done $0x0;
	(pc) =	sbr.rel @p0 .LBB2_1-.Ltmp1, $4  }
0xe8: {  	[sflag:s13] =	ssyncadd.s32 $0xFFFFCE00  }
0xe9: {  	_ =	swait.ge [sflag:s13], $0x3200  }
0xea: {  	[sflag:s13] =	ssyncset.done $0x0  }
0xeb: {  	[sflag:s13] =	ssyncadd.s32 $0xFFFFCE00  }
0xec: {  	_ =	sfence.sel $0x180000  }
0xed: {  	[bflag:$0x0] =	sbarrier.arrive $0xFFFF  }
0xee: {  	_ =	strace $0x90000047  }
0xef: {  	[bflag:$0x2] =	sbarrier.arrive $0xFFFF  }
0xf0: {  	p0 =	sne.s32 s1, $0x0;
	s0 =	rddreg [dreg:$0x2]  }
0xf1: {  	s0 =	sadd.s32 @!p0 $0x100000, s0  }
0xf2: {  	[sflag:s0] =	ssyncadd.tile.s32 @!p0 $0x1;
	_ =	shalt  }
.Lfunc_end2:
_tile_overlayer_lowered:
.L_overlay_start_2:
0xf3: {  	(tag) =	ssettag $0x2  }
0xf4: {  	s0 =	rddreg [dreg:$0x0];
	s2 =	stileid.u32  }
0xf5: {  	s1 =	rddreg [dreg:$0x1];
	p0 =	sne.s32 s2, $0x0  }
0xf6: {  	s3 =	rddreg [dreg:$0x2];
	[bflag:$0x3] =	sbarrier.arrive $0xFFFF;
	s2 =	simm.s32 @!p0 $0x1C05  }
0xf7: {  	[timem:s3], [sflag:s2] =	dma.local @!p0 [hbm:s0], s1  }
0xf8: {  	s0 =	simm.s32 @!p0 $0x5  }
0xf9: {  	_ =	swait.ge @!p0 [sflag:s0], s1  }
0xfa: {  	s1 =	ssub.s32 @!p0 $0x0, s1;
	[sflag:s0] =	ssyncset.done @!p0 $0x0  }
0xfb: {  	[sflag:s0] =	ssyncadd.s32 @!p0 s1  }
0xfc: {  	[bflag:$0x3] =	sbarrier.arrive $0xFFFF  }
0xfd: {  	_ =	shalt  }

// kernel: sparse-core-data-format-call.cloned.1.call-start
scs
called_computation_lowered:
.L_overlay_start_0:
0x0: {  	s2 =	sld [smem:$0x3FD9]  }
0x1: {  	s3 =	sld [smem:$0x3FFE];
	_ =	sdelay $0x1  }
0x2: {  	s1 =	srdreg.scid  }
0x3: {  	s0 =	sand.u32 $0x1, s1  }
0x4: {  	s18 =	sshll.u32 s0, $0xA;
	s2 =	sadd.s32 s3, s2  }
0x5: {  	s2 =	sadd.s32 s2, s18  }
0x6: {  	[smem:$0x3FC6] =	sst s2  }
0x7: {  	_ = 	snop  }
0x8: {  	s2 =	sld [smem:$0x3FD0];
	(tm) =	ssettm $0x1  }
0x9: {  	s19 =	sld [smem:$0x3FFB];
	_ =	sdelay $0x3  }
0xa: {  	_ =	strace s19  }
0xb: {  	s3 =	sld [smem:$0x3FFC];
	_ =	sdelay $0x3  }
0xc: {  	_ =	strace s3  }
0xd: {  	s3 =	sld [smem:$0x3FFD];
	_ =	sdelay $0x3  }
0xe: {  	_ =	strace s3  }
0xf: {  	_ =	strace $0x8FFFFFFF  }
0x10: {  	s20 =	sld [smem:$0x3FDB];
	_ =	sdelay $0x1  }
0x11: {  	s4 =	simm.s32 $_scs_section_size  }
0x12: {  	s5 =	simm.s32 $_size__tile_overlayer_lowered;
	s6 =	simm.s32 $_tile_overlayer_lowered  }
0x13: {  	s23 =	simm.s32 $0x1BFF;
	s22 =	sshll.u32 s6, $0x1;
	s3 =	sadd.s32 s4, s20  }
0x14: {  	s7 =	simm.s32 $0x0;
	s21 =	sshll.u32 s5, $0x1;
	s5 =	sadd.s32 s22, s3  }
0x15: {  	[timem:s7], [sflag:s23] =	dma.local [hbm:s5], s21  }
0x16: {  	_ =	swait.ge [sflag:s23], s21  }
0x17: {  	s4 =	ssub.s32 $0x0, s21;
	[sflag:s23] =	ssyncset.done $0x0  }
0x18: {  	[sflag:s23] =	ssyncadd.s32 s4;
	_ =	sdelay $0x1  }
0x19: {  	s24 =	simm.s32 $0x1B8B  }
0x1a: {  	_ =	swait.ge [sflag:s24], $0x1  }
0x1b: {  	[sflag:s24] =	ssyncset.done $0x0  }
0x1c: {  	s26 =	simm.s32 $0x1B8E;
	s25 =	sld [smem:$0x3FFE];
	[sflag:s24] =	ssyncadd.s32 $0xFFFFFFFF  }
0x1d: {  	s27 =	simm.s32 $execute0_lowered;
	[smem:$0x3FD2] =	sst s26  }
0x1e: {  	s5 =	sshll.u32 s27, $0x1;
	_ =	strace $0x80000049;
	[dreg:$0x1] =	wrdreg $0xFFFFFFFF  }
0x1f: {  	s28 =	simm.s32 $_size_execute0_lowered;
	s3 =	sadd.s32 s3, s5;
	[dreg:$0x0] =	wrdreg $0x0  }
0x20: {  	s5 =	sshll.u32 s28, $0x1;
	[dreg:$0x2] =	wrdreg s3  }
0x21: {  	[dreg:$0x3] =	wrdreg s5  }
0x22: {  	[dreg:$0x4] =	wrdreg $0xC0  }
0x23: {  	_ =	task [dreg:s7], $0x5FFFF  }
0x24: {  	[dreg:$0x1] =	wrdreg $0xFFFFFFFF  }
0x25: {  	[dreg:$0x0] =	wrdreg $0x60  }
0x26: {  	[dreg:$0x2] =	wrdreg s25  }
0x27: {  	[dreg:$0x3] =	wrdreg s2  }
0x28: {  	[dreg:$0x4] =	wrdreg $0x9  }
0x29: {  	_ =	task.clear_ibuf [dreg:s7], $0x5FFFF;
	_ =	strace $0x90000049  }
0x2a: {  	s29 =	simm.s32 $0x9;
	_ =	strace $0x8000004B  }
0x2b: {  	_ =	swait.ge [sflag:s29], $0x1  }
0x2c: {  	[sflag:s29] =	ssyncadd.s32 $0xFFFFFFFF  }
0x2d: {  	_ =	strace $0x9000004B  }
0x2e: {  	_ =	sfence  }
0x2f: {  	s30 =	sld [smem:$0x0];
	_ =	sdelay $0x2  }
0x30: {  	s31 =	sshll.u32 s1, $0xD;
	s1 =	sshrl.u32 s1, $0x2  }
0x31: {  	s3 =	sand.u32 $0x4000, s31;
	s1 =	sadd.s32 s1, s30  }
0x32: {  	s0 =	sor.u32 s3, s0;
	s1 =	sshll.u32 s1, $0x11  }
0x33: {  	s0 =	sor.u32 s1, s0  }
0x34: {  	s0 =	sadd.s32 $0x8F2B, s0  }
0x35: {  	[sflag:s0] =	ssyncadd.remote.s32 $0x1  }
0x36: {  	_ =	sfence.sel $0xFFFF  }
0x37: {  	[dreg:$0x0] =	wrdreg $0xFFFFFFFF;
	(pc) =	sbr.abs _section_cstart, $3  }
0x38: {  	[dreg:$0x1] =	wrdreg $0xFFFFFFFF  }
0x39: {  	_ =	task.clear_ibuf [dreg:s7], $0x2FFFF;
	_ =	strace $0x9FFFFFFF  }
0x3a: {  	(tm) =	ssettm $0x7FFFFFFF  }
0x3b: {  	_ =	shalt  }
tec
execute0_lowered:
.L_overlay_start_1:
0x0: {  	(tag) =	ssettag $0x1  }
0x1: {  	s0 =	srdreg.scid  }
0x2: {  	s1 =	sshll.u32 s0, $0x4  }
0x3: {  	s0 =	stileid.u32;
	s1 =	sand.u32 $0x10, s1  }
0x4: {  	s1 =	sor.u32 s0, s1  }
0x5: {  	s6 =	rddreg [dreg:$0x0];
	s4 =	simm.s32 $0x1;
	s2 =	sshll.u32 s1, $0x7  }
0x6: {  	s7 =	simm.s32 $0x2;
	s12 =	simm.s32 $0x0;
	s1 =	ssub.s32 $0x1000, s2  }
0x7: {  	s8 =	simm.s32 $0x8000;
	s13 =	simm.s32 $0x0;
	s3 =	sand.u32 $0xF80, s1  }
0x8: {  	s9 =	simm.s32 $0x0;
	s5 =	sshrl.u32 s1, $0xC;
	p0 =	sne.s32 s3, $0x0  }
.Ltmp0:
0x9: {  	s1 =	rddreg [dreg:$0x2];
	s4 =	simm.s32 @!p0 $0x0;
	(pc) =	sbr.rel .LBB1_1-.Ltmp0, $4  }
0xa: {  	s11 =	simm.s32 $0x0;
	s3 =	rddreg [dreg:$0x1];
	s5 =	sadd.s32 s4, s5  }
0xb: {  	_ =	strace $0x8000004A;
	s4 =	simm.s32 $0x1;
	s5 =	smul.u32 $0xC8, s5  }
0xc: {  	s6 =	sadd.s32 $0xA00, s6;
	s10 =	smov.u32 s2;
	[sflag:s4] =	ssyncpa.u1 $0x0  }
0xd: {  	p0 =	por $0x0, $0x0;
	[sflag:s7] =	ssyncpa.u1 $0x0;
	s7 =	sor.u32 $0x1, s5  }
.LBB1_4:
0xe: {  	s16 =	sshll.u32 s13, $0x3;
	s17 =	sand.u32 $0x78, s13  }
0xf: {  	s30 =	sand.u32 $0x7E00, s13;
	s12 =	sshll.u32 s12, $0xF;
	s16 =	sand.u32 $0xC00, s16  }
0x10: {  	[tilespmem:s15+$0x810 ss:$0x81] =	vst.msk $0xffff, v2;
	s31 =	sand.u32 $0x7, s13;
	s16 =	sor.u32 s17, s16;
	s17 =	sadd.s32 s3, s30  }
0x11: {  	[tilespmem:s15+$0x1020 ss:$0x81] =	vst.msk $0xffff, v0;
	s13 =	sshll.u32 s31, $0x12;
	s12 =	sadd.s32 s12, s17;
	s16 =	sshrl.u32 s16, $0x3  }
0x12: {  	[tilespmem:s15+$0x0 ss:$0x81] =	vst.msk $0xffff, v1;
	s13 =	sor.u32 $0x400, s13;
	s12 =	sadd.s32 s16, s12  }
0x13: {  	[hbm4b:s12+s13] =	stream.strided.scatter [tilespmem:s14], [sflag:$0x2], $0x2000, s8, s13, $0x20;
	[tilespmem:$0x8080] =	vst v63  }
.LBB1_5:
0x14: {  	s14 =	sadd.s32 $0x1, s9  }
0x15: {  	s12 =	sadd.s32 $0x1000, s10;
	s16 =	smov.u32 s10;
	p2 =	sgt.s32 s14, $0xC7  }
0x16: {  	s16 =	smov.u32 @p2 s12  }
0x17: {  	s14 =	simm.s32 @p2 $0x0;
	p2 =	sgt.s32 s16, $0xFFF  }
0x18: {  	s16 =	smov.u32 @p2 s2;
	p2 =	sne.s32 s11, s7  }
.Ltmp1:
0x19: {  	p1 =	slt.u32 s11, $0x2;
	(pc) =	sbr.rel @!p2 .LBB1_6-.Ltmp1, $4  }
0x1a: {  	s15 =	simm.s32 @!p1 $0x2  }
0x1b: {  	s13 =	smov.u32 s10;
	p0 =	por !p0, !p0;
	_ =	swait.ge @!p1 [sflag:s15], $0x2000  }
0x1c: {  	s12 =	smov.u32 s9;
	[sflag:s15] =	ssyncset.done @!p1 $0x0;
	s9 =	smov.u32 s14  }
0x1d: {  	s11 =	sadd.s32 $0x1, s11;
	[sflag:s15] =	ssyncadd.s32 @!p1 $0xFFFFE000;
	s10 =	smov.u32 s16  }
.LBB1_1:
0x1e: {  	p1 =	sge.u32 s11, s5  }
0x1f: {  	s14 =	sand.u32 @!p1 $0x1FFFFFF, s9  }
0x20: {  	s15 =	smulhi.u32 @!p1 $0x147AE15, s14;
	_ =	sdelay $0x1  }
0x21: {  	s15 =	smul.u32 @!p1 $0xC8, s15  }
0x22: {  	s16 =	sxor.u32 @!p1 $0xFFFFFFFF, s11;
	s17 =	smul.u32 @!p1 $0xC80, s10  }
0x23: {  	s31 =	sadd.s32 $0xFFFFFFFF, s11;
	s16 =	sshll.u32 @!p1 s16, $0xD;
	s14 =	ssub.s32 @!p1 s14, s15  }
0x24: {  	s15 =	sand.u32 @!p1 $0x2000, s16;
	s16 =	sadd.s32 @!p1 s6, s17;
	s14 =	sshll.u32 @!p1 s14, $0x4  }
0x25: {  	s17 =	simm.s32 @!p1 $0x6400;
	s14 =	sadd.s32 @!p1 s14, s16;
	s16 =	simm.s32 @!p1 $0x40  }
0x26: {  	[tilespmem:s15], [sflag:$0x1] =	stream.strided.gather @!p1 [hbm4b:s14+s16], $0x2000, s17, s16, $0x38;
	[tilespmem:$0x8080] =	vst v63  }
0x27: {  	p1 =	sge.u32 s31, s5  }
.Ltmp2:
0x28: {  	_ = 	snop;
	(pc) =	sbr.rel @p1 .LBB1_5-.Ltmp2, $1  }
0x29: {  	_ =	sdelay $0x3  }
0x2a: {  	s14 =	simm.s32 $0x1  }
0x2b: {  	_ =	swait.ge [sflag:s4], $0x2000;
	s14 =	simm.s32 @!p0 $0x0  }
0x2c: {  	[sflag:s4] =	ssyncset.done $0x0;
	s15 =	sshll.u32 s14, $0xD  }
0x2d: {  	[sflag:s4] =	ssyncadd.s32 $0xFFFFE000;
	s18 =	sor.u32 $0x20, s15  }
0x2e: {  	s14 =	smul.u32 $0x8100, s14;
	v3 =	vld [tilespmem:s18+$0x10]  }
0x2f: {  	s30 =	sand.u32 $0x1, s11;
	v2 =	vld [tilespmem:s18+$0xFFFFFFF0]  }
0x30: {  	s15 =	smul.u32 $0x8100, s30;
	s14 =	sshrl.u32 s14, $0x2;
	v0 =	vld [tilespmem:s18+$0x0]  }
0x31: {  	v1 =	vld [tilespmem:s18+$0xFFFFFFE0];
	s16 =	sor.u32 $0x4000, s14  }
0x32: {  	s31 =	sshrl.u32 s15, $0x2;
	s15 =	sadd.s32 $0x0, s16  }
0x33: {  	s17 =	simm.s32 $0x4;
	s18 =	sadd.s32 $0x40, s18;
	s14 =	sor.u32 $0x4000, s31;
	[tilespmem:s15+$0x1830 ss:$0x81] =	vst.msk $0xffff, v3  }
.LBB1_3:
0x34: {  	v3 =	vld [tilespmem:s18+$0x10];
	p1 =	sne.s32 s17, $0x1FC;
	[tilespmem:s15+$0x810 ss:$0x81] =	vst.msk $0xffff, v2;
	s19 =	smov.u32 s17;
	s17 =	sadd.s32 $0x4, s17  }
.Ltmp3:
0x35: {  	v2 =	vld [tilespmem:s18+$0xFFFFFFF0];
	[tilespmem:s15+$0x1020 ss:$0x81] =	vst.msk $0xffff, v0;
	(pc) =	sbr.rel @p1 .LBB1_3-.Ltmp3, $4  }
0x36: {  	v0 =	vld [tilespmem:s18+$0x0];
	[tilespmem:s15+$0x0 ss:$0x81] =	vst.msk $0xffff, v1  }
0x37: {  	s15 =	sshra.s32 s19, $0x2;
	v1 =	vld [tilespmem:s18+$0xFFFFFFE0]  }
0x38: {  	s15 =	sadd.s32 s15, s16  }
0x39: {  	s18 =	sadd.s32 $0x40, s18;
	[tilespmem:s15+$0x1830 ss:$0x81] =	vst.msk $0xffff, v3  }
.Ltmp4:
0x3a: {  	_ = 	snop;
	(pc) =	sbr.rel .LBB1_4-.Ltmp4, $1  }
0x3b: {  	_ =	sdelay $0x3  }
.LBB1_6:
0x3c: {  	_ =	sfence.sel $0x180000  }
0x3d: {  	s2 =	simm.s32 $0x1;
	[bflag:$0x0] =	sbarrier.arrive $0xFFFF  }
0x3e: {  	s31 =	simm.s32 $0x2;
	[sflag:s2] =	ssyncpa.u1 $0x1  }
0x3f: {  	[sflag:s31] =	ssyncpa.u1 $0x1  }
0x40: {  	p0 =	sne.s32 s0, $0x0;
	_ =	strace $0x9000004A  }
0x41: {  	s0 =	sadd.s32 @!p0 $0x100000, s1;
	[bflag:$0x2] =	sbarrier.arrive $0xFFFF  }
0x42: {  	[sflag:s0] =	ssyncadd.tile.s32 @!p0 $0x1;
	_ =	shalt  }
.Lfunc_end1:
_tile_overlayer_lowered:
.L_overlay_start_2:
0x43: {  	(tag) =	ssettag $0x2  }
0x44: {  	s0 =	rddreg [dreg:$0x0];
	s2 =	stileid.u32  }
0x45: {  	s1 =	rddreg [dreg:$0x1];
	p0 =	sne.s32 s2, $0x0  }
0x46: {  	s3 =	rddreg [dreg:$0x2];
	[bflag:$0x3] =	sbarrier.arrive $0xFFFF;
	s2 =	simm.s32 @!p0 $0x1C01  }
0x47: {  	[timem:s3], [sflag:s2] =	dma.local @!p0 [hbm:s0], s1  }
0x48: {  	s0 =	simm.s32 @!p0 $0x1  }
0x49: {  	_ =	swait.ge @!p0 [sflag:s0], s1  }
0x4a: {  	s1 =	ssub.s32 @!p0 $0x0, s1;
	[sflag:s0] =	ssyncset.done @!p0 $0x0  }
0x4b: {  	[sflag:s0] =	ssyncadd.s32 @!p0 s1  }
0x4c: {  	[bflag:$0x3] =	sbarrier.arrive $0xFFFF  }
0x4d: {  	_ =	shalt  }

</sc_bundles>
